<compile_context>
chip_gen: v7x
topology: tpu7x:2x2x1
jax: 0.10.2.dev20260603
libtpu: 0.0.44.dev20260713+nightly
codegen_flags: <defaults>
</compile_context>

<pallas_src>
import functools

import jax
import jax.numpy as jnp
from jax import lax
from jax.experimental import pallas as pl
from jax.experimental.pallas import tpu as pltpu
from jax.experimental.pallas import tpu_sc as plsc

_N = 10000
_E = 320000
_R = 32
_NB = 8
_C = 128

_NC = 2
_NS = 16
_NW = _NC * _NS
_EPW = _E // _NW
_CHUNK = 80
_GBUF = 2
_IBUF = 3
_MBLK = 2000
_NMB = _EPW // _MBLK
_NCHUNK = _MBLK // _CHUNK
_TROWS = 624
_TAIL = _N - _NS * _TROWS

_BLK = 2000



def _xw_body(att_ref, basis_ref, root_ref, bias_ref, x_ref, o_ref, w_bank):
    nb = pl.program_id(0)
    r = pl.program_id(1)

    @pl.when(nb == 0)
    def _compute_w():
        @pl.when(r < _R)
        def _():
            rc = jnp.minimum(r, _R - 1)
            acc = att_ref[rc, 0] * basis_ref[0]
            for b in range(1, _NB):
                acc = acc + att_ref[rc, b] * basis_ref[b]
            w_bank[r] = acc.astype(jnp.bfloat16)

        @pl.when(r == _R)
        def _():
            w_bank[_R] = root_ref[...].astype(jnp.bfloat16)

    y = jnp.dot(x_ref[...], w_bank[r], preferred_element_type=jnp.float32)
    o_ref[0] = y

    @pl.when(r == _R)
    def _add_bias():
        o_ref[0] = y + bias_ref[...]


def _xw_call(att, basis, root, bias_row, x):
    return pl.pallas_call(
        _xw_body,
        grid=(_N // _BLK, _R + 1),
        in_specs=[
            pl.BlockSpec((_R, _NB), lambda nb, r: (0, 0)),
            pl.BlockSpec((_NB, _C, _C), lambda nb, r: (0, 0, 0)),
            pl.BlockSpec((_C, _C), lambda nb, r: (0, 0)),
            pl.BlockSpec((1, _C), lambda nb, r: (0, 0)),
            pl.BlockSpec((_BLK, _C), lambda nb, r: (nb, 0)),
        ],
        out_specs=pl.BlockSpec((1, _BLK, _C), lambda nb, r: (r, nb, 0)),
        out_shape=jax.ShapeDtypeStruct((_R + 1, _N, _C), jnp.float32),
        scratch_shapes=[pltpu.VMEM((_R + 1, _C, _C), jnp.bfloat16)],
    )(att, basis, root, bias_row, x)



def _edge_body(xw_hbm, src_hbm, type_hbm, dst_hbm, norm_hbm, zeros_hbm,
               out_hbm, src_v, type_v, dst_v, norm_v, gidx, didx, rows,
               srows, acc_sh, gsem, ssem):
    cid = lax.axis_index("c")
    sid = lax.axis_index("s")
    wid = sid * _NC + cid
    base = wid * _EPW
    trow = sid * _TROWS

    pltpu.sync_copy(zeros_hbm, acc_sh.at[pl.ds(trow, _TROWS)])

    @pl.when(sid == _NS - 1)
    def _zero_tail():
        pltpu.sync_copy(zeros_hbm.at[pl.ds(0, _TAIL)],
                        acc_sh.at[pl.ds(_NS * _TROWS, _TAIL)])

    plsc.subcore_barrier()

    iota16 = lax.iota(jnp.int32, 16)
    cols = [iota16 + s * 16 for s in range(_C // 16)]

    def _build_idx(k, slot):
        off = k * _CHUNK
        srow = jnp.full((16,), slot, jnp.int32)
        for g in range(_CHUNK // 16):
            s16 = src_v[pl.ds(off + g * 16, 16)]
            t16 = type_v[pl.ds(off + g * 16, 16)]
            d16 = dst_v[pl.ds(off + g * 16, 16)]
            plsc.store_scatter(gidx, [srow, cols[g]], t16 * _N + s16)
            plsc.store_scatter(didx, [srow, cols[g]], d16)

    def _start_gather(islot, gslot):
        return pltpu.async_copy(xw_hbm.at[gidx.at[islot]], rows.at[gslot],
                                gsem)

    def mblock_body(m, carry):
        mbase = base + m * _MBLK
        pltpu.sync_copy(src_hbm.at[pl.ds(mbase, _MBLK)], src_v)
        pltpu.sync_copy(type_hbm.at[pl.ds(mbase, _MBLK)], type_v)
        pltpu.sync_copy(dst_hbm.at[pl.ds(mbase, _MBLK)], dst_v)
        pltpu.sync_copy(norm_hbm.at[pl.ds(mbase, _MBLK)], norm_v)

        _build_idx(0, 0)
        _start_gather(0, 0)

        def chunk_body(k, c1):
            gslot = lax.rem(k, 2)
            islot = lax.rem(k, 3)

            pltpu.make_async_copy(
                xw_hbm.at[gidx.at[islot]], rows.at[gslot], gsem).wait()

            @pl.when(k + 1 < _NCHUNK)
            def _prefetch():
                _build_idx(k + 1, lax.rem(k + 1, 3))
                _start_gather(lax.rem(k + 1, 3), lax.rem(k + 1, 2))

            off = k * _CHUNK
            srow = jnp.full((16,), gslot, jnp.int32)

            @plsc.parallel_loop(0, _CHUNK, 1, unroll=4)
            def _scale(e):
                gbase = (e >> 4) << 4
                norm16 = norm_v[pl.ds(off + gbase, 16)]
                nsp = lax.gather(
                    norm16,
                    jnp.full((16, 1), e - gbase, jnp.int32),
                    lax.GatherDimensionNumbers(
                        offset_dims=(),
                        collapsed_slice_dims=(0,),
                        start_index_map=(0,)),
                    (1,),
                    mode=lax.GatherScatterMode.PROMISE_IN_BOUNDS)
                erow = jnp.full((16,), e, jnp.int32)
                for s in range(_C // 16):
                    v = plsc.load_gather(rows, [srow, erow, cols[s]])
                    plsc.store_scatter(srows, [srow, erow, cols[s]],
                                       v * nsp)

            pltpu.sync_copy(srows.at[gslot], acc_sh.at[didx.at[islot]],
                            add=True)

            return c1

        lax.fori_loop(0, _NCHUNK, chunk_body, 0)
        return carry

    lax.fori_loop(0, _NMB, mblock_body, 0)

    plsc.subcore_barrier()

    pltpu.sync_copy(acc_sh.at[pl.ds(trow, _TROWS)],
                    out_hbm.at[cid, pl.ds(trow, _TROWS)])

    @pl.when(sid == _NS - 1)
    def _flush_tail():
        pltpu.sync_copy(acc_sh.at[pl.ds(_NS * _TROWS, _TAIL)],
                        out_hbm.at[cid, pl.ds(_NS * _TROWS, _TAIL)])


@functools.cache
def _edge_call():
    return pl.kernel(
        _edge_body,
        out_type=jax.ShapeDtypeStruct((_NC, _N, _C), jnp.float32),
        mesh=plsc.VectorSubcoreMesh(core_axis_name="c", subcore_axis_name="s",
                                    num_cores=_NC, num_subcores=_NS),
        compiler_params=pltpu.CompilerParams(needs_layout_passes=False),
        scratch_types=[
            pltpu.VMEM((_MBLK,), jnp.int32),
            pltpu.VMEM((_MBLK,), jnp.int32),
            pltpu.VMEM((_MBLK,), jnp.int32),
            pltpu.VMEM((_MBLK,), jnp.float32),
            pltpu.VMEM((_IBUF, _CHUNK), jnp.int32),
            pltpu.VMEM((_IBUF, _CHUNK), jnp.int32),
            pltpu.VMEM((_GBUF, _CHUNK, _C), jnp.float32),
            pltpu.VMEM((_GBUF, _CHUNK, _C), jnp.float32),
            pltpu.VMEM_SHARED((_N, _C), jnp.float32),
            pltpu.SemaphoreType.DMA,
            pltpu.SemaphoreType.DMA,
        ],
    )



def _combine_body(p0_ref, p1_ref, b_ref, o_ref):
    o_ref[...] = p0_ref[...] + p1_ref[...] + b_ref[...]


def _combine_call(p0, p1, base):
    return pl.pallas_call(
        _combine_body,
        grid=(_N // _BLK,),
        in_specs=[
            pl.BlockSpec((_BLK, _C), lambda nb: (nb, 0)),
            pl.BlockSpec((_BLK, _C), lambda nb: (nb, 0)),
            pl.BlockSpec((_BLK, _C), lambda nb: (nb, 0)),
        ],
        out_specs=pl.BlockSpec((_BLK, _C), lambda nb: (nb, 0)),
        out_shape=jax.ShapeDtypeStruct((_N, _C), jnp.float32),
    )(p0, p1, base)



@jax.jit
def kernel(x, edge_index, edge_type, edge_norm, basis, att, root, bias):
    xw_all = _xw_call(att, basis, root, bias.reshape(1, _C),
                      x.astype(jnp.bfloat16))
    xw_flat = xw_all.reshape((_R + 1) * _N, _C)
    zeros = jnp.zeros((_TROWS, _C), jnp.float32)
    partials = _edge_call()(xw_flat, edge_index[0], edge_type,
                            edge_index[1], edge_norm, zeros)
    return _combine_call(partials[0], partials[1], xw_all[_R])

# --- scband reference (transcript-rebuilt; emitter-appended) ---
"""Pipeline reference for scband-rgcnconv-37177236914327 (READ-ONLY COPY).

The authoritative reference and input builder live on the scoring server;
editing this copy changes nothing except your own understanding.
"""

import jax, jax.numpy as jnp
import numpy as np

N = 10000
E = 320000
R = 32
NB = 8
C_IN = 128
C_OUT = 128

def setup_inputs(seed: int = 0):
    key = jax.random.key(seed)
    ks = jax.random.split(key, 8)
    x = jax.random.normal(ks[0], (N, C_IN), dtype=jnp.float32)
    edge_index = jax.random.randint(ks[1], (2, E), 0, N, dtype=jnp.int32)
    edge_type = jax.random.randint(ks[2], (E,), 0, R, dtype=jnp.int32)
    edge_norm = jax.random.uniform(ks[3], (E,), dtype=jnp.float32)
    bound = 1.0 / np.sqrt(NB * C_IN)
    basis = jax.random.uniform(ks[4], (NB, C_IN, C_OUT), minval=-bound, maxval=bound, dtype=jnp.float32)
    att = jax.random.uniform(ks[5], (R, NB), minval=-bound, maxval=bound, dtype=jnp.float32)
    root = jax.random.uniform(ks[6], (C_IN, C_OUT), minval=-bound, maxval=bound, dtype=jnp.float32)
    bias = jax.random.uniform(ks[7], (C_OUT,), minval=-bound, maxval=bound, dtype=jnp.float32)
    return {"x": x, "edge_index": edge_index, "edge_type": edge_type, "edge_norm": edge_norm,
            "basis": basis, "att": att, "root": root, "bias": bias}

def reference(x, edge_index, edge_type, edge_norm, basis, att, root, bias):
    # w = att @ basis  -> per-relation weight [R, C_IN, C_OUT]
    w = jnp.matmul(att, basis.reshape(NB, -1)).reshape(R, C_IN, C_OUT)
    # per-edge message m_e = x[src_e] @ w[type_e] * norm_e
    # computed as xw[r, n, o] = x[n, :] @ w[r] then gathered at (type_e, src_e)
    # (mathematically identical to the per-edge bmm in the original msg_func)
    xw = jnp.einsum('ni,rio->rno', x, w)
    src = edge_index[0]
    dst = edge_index[1]
    m = xw[edge_type, src] * edge_norm[:, None]
    # rgcn_reduce: sum over incoming messages per dst node
    agg = jax.ops.segment_sum(m, dst, num_segments=N)
    # self-loop root transform + bias
    out = agg + jnp.matmul(x, root) + bias
    return out

if __name__ == "__main__":
    import jax
    _d = setup_inputs()
    print(jax.jit(kernel)(*tuple(_d.values())))

</pallas_src>

<mosaic_0001>
#map = affine_map<(d0, d1) -> (0, 0)>
#map1 = affine_map<(d0, d1) -> (0)>
#map2 = affine_map<(d0, d1) -> (0, 0, 0)>
module attributes {stable_mosaic.version = 14 : i64} {
  func.func @_edge_body(%arg0: i32, %arg1: i32, %arg2: memref<330000x128xf32, #tpu.memory_space<hbm>>, %arg3: memref<320000xi32, #tpu.memory_space<hbm>>, %arg4: memref<320000xi32, #tpu.memory_space<hbm>>, %arg5: memref<320000xi32, #tpu.memory_space<hbm>>, %arg6: memref<320000xf32, #tpu.memory_space<hbm>>, %arg7: memref<624x128xf32, #tpu.memory_space<hbm>>, %arg8: memref<2x10000x128xf32, #tpu.memory_space<hbm>>, %arg9: memref<2000xi32, #tpu.memory_space<vmem>>, %arg10: memref<2000xi32, #tpu.memory_space<vmem>>, %arg11: memref<2000xi32, #tpu.memory_space<vmem>>, %arg12: memref<2000xf32, #tpu.memory_space<vmem>>, %arg13: memref<3x80xi32, #tpu.memory_space<vmem>>, %arg14: memref<3x80xi32, #tpu.memory_space<vmem>>, %arg15: memref<2x80x128xf32, #tpu.memory_space<vmem>>, %arg16: memref<2x80x128xf32, #tpu.memory_space<vmem>>, %arg17: memref<10000x128xf32, #tpu.memory_space<vmem_shared>>, %arg18: memref<!tpu.dma_semaphore, #tpu.memory_space<semaphore_mem>>, %arg19: memref<!tpu.dma_semaphore, #tpu.memory_space<semaphore_mem>>) attributes {dimension_semantics = [#tpu.dimension_semantics<core_parallel>, #tpu.dimension_semantics<subcore_parallel>], iteration_bounds = array<i64: 2, 16>, scalar_prefetch = 0 : i64, scratch_operands = 11 : i64, tpu.core_type = #tpu.core_type<sc_vector_subcore>, window_params = [{transform_indices = #map}, {transform_indices = #map1}, {transform_indices = #map1}, {transform_indices = #map1}, {transform_indices = #map1}, {transform_indices = #map}, {transform_indices = #map2}]} {
    %mul3A = arith.constant 2 : i32
    %mul3A_0 = arith.muli %arg1, %mul3A : i32
    %add3A = arith.addi %mul3A_0, %arg0 : i32
    %mul3A_1 = arith.constant 10000 : i32
    %mul3A_2 = arith.muli %add3A, %mul3A_1 : i32
    %mul3A_3 = arith.constant 624 : i32
    %mul3A_4 = arith.muli %arg1, %mul3A_3 : i32
    "tpu.region"() ({
      %run_scoped3A = tpu.sem_alloc : memref<!tpu.dma_semaphore, #tpu.memory_space<semaphore_mem>>
      %dma_start3A = arith.constant 0 : i32
      %dma_start3A_42 = tpu.memref_slice %arg17[%mul3A_4, %dma_start3A] : memref<10000x128xf32, #tpu.memory_space<vmem_shared>> -> memref<624x128xf32, #tpu.memory_space<vmem_shared>>
      tpu.enqueue_dma source(%arg7 : memref<624x128xf32, #tpu.memory_space<hbm>>) target(%dma_start3A_42 : memref<624x128xf32, #tpu.memory_space<vmem_shared>>) target_semaphore(%run_scoped3A : memref<!tpu.dma_semaphore, #tpu.memory_space<semaphore_mem>>)
      %dma_wait3A = arith.constant 0 : i32
      %dma_wait3A_43 = tpu.memref_slice %arg17[%mul3A_4, %dma_wait3A] : memref<10000x128xf32, #tpu.memory_space<vmem_shared>> -> memref<624x128xf32, #tpu.memory_space<vmem_shared>>
      tpu.wait_dma2 semaphore(%run_scoped3A : memref<!tpu.dma_semaphore, #tpu.memory_space<semaphore_mem>>) src(%arg7 : memref<624x128xf32, #tpu.memory_space<hbm>>) dst(%dma_wait3A_43 : memref<624x128xf32, #tpu.memory_space<vmem_shared>>)
      tpu.yield
    }) : () -> ()
    %eq3A = arith.constant 15 : i32
    %eq3A_5 = arith.cmpi eq, %arg1, %eq3A : i32
    %convert_element_type3A = arith.extui %eq3A_5 : i1 to i32
    %cond3A = arith.constant 0 : i32
    %cond3A_6 = arith.cmpi ne, %convert_element_type3A, %cond3A : i32
    scf.if %cond3A_6 {
      "tpu.region"() ({
        %run_scoped3A = tpu.sem_alloc : memref<!tpu.dma_semaphore, #tpu.memory_space<semaphore_mem>>
        %dma_start3A = arith.constant 9984 : i32
        %dma_start3A_42 = arith.constant 0 : i32
        %dma_start3A_43 = tpu.memref_slice %arg17[%dma_start3A, %dma_start3A_42] : memref<10000x128xf32, #tpu.memory_space<vmem_shared>> -> memref<16x128xf32, #tpu.memory_space<vmem_shared>>
        %dma_start3A_44 = arith.constant 0 : i32
        %dma_start3A_45 = arith.constant 0 : i32
        %dma_start3A_46 = tpu.memref_slice %arg7[%dma_start3A_44, %dma_start3A_45] : memref<624x128xf32, #tpu.memory_space<hbm>> -> memref<16x128xf32, #tpu.memory_space<hbm>>
        tpu.enqueue_dma source(%dma_start3A_46 : memref<16x128xf32, #tpu.memory_space<hbm>>) target(%dma_start3A_43 : memref<16x128xf32, #tpu.memory_space<vmem_shared>>) target_semaphore(%run_scoped3A : memref<!tpu.dma_semaphore, #tpu.memory_space<semaphore_mem>>)
        %dma_wait3A = arith.constant 9984 : i32
        %dma_wait3A_47 = arith.constant 0 : i32
        %dma_wait3A_48 = tpu.memref_slice %arg17[%dma_wait3A, %dma_wait3A_47] : memref<10000x128xf32, #tpu.memory_space<vmem_shared>> -> memref<16x128xf32, #tpu.memory_space<vmem_shared>>
        %dma_wait3A_49 = arith.constant 0 : i32
        %dma_wait3A_50 = arith.constant 0 : i32
        %dma_wait3A_51 = tpu.memref_slice %arg7[%dma_wait3A_49, %dma_wait3A_50] : memref<624x128xf32, #tpu.memory_space<hbm>> -> memref<16x128xf32, #tpu.memory_space<hbm>>
        tpu.wait_dma2 semaphore(%run_scoped3A : memref<!tpu.dma_semaphore, #tpu.memory_space<semaphore_mem>>) src(%dma_wait3A_51 : memref<16x128xf32, #tpu.memory_space<hbm>>) dst(%dma_wait3A_48 : memref<16x128xf32, #tpu.memory_space<vmem_shared>>)
        tpu.yield
      }) : () -> ()
    } else {
    }
    %barrier3A = arith.constant 0 : index
    tpu.barrier barrier_id(%barrier3A)
    %iota3A = tpu.iota {dimensions = array<i32: 0>} : vector<16xi32>
    %add3A_7 = arith.constant 0 : i32
    %add3A_8 = vector.broadcast %add3A_7 : i32 to vector<16xi32>
    %add3A_9 = arith.addi %iota3A, %add3A_8 : vector<16xi32>
    %add3A_10 = arith.constant 16 : i32
    %add3A_11 = vector.broadcast %add3A_10 : i32 to vector<16xi32>
    %add3A_12 = arith.addi %iota3A, %add3A_11 : vector<16xi32>
    %add3A_13 = arith.constant 32 : i32
    %add3A_14 = vector.broadcast %add3A_13 : i32 to vector<16xi32>
    %add3A_15 = arith.addi %iota3A, %add3A_14 : vector<16xi32>
    %add3A_16 = arith.constant 48 : i32
    %add3A_17 = vector.broadcast %add3A_16 : i32 to vector<16xi32>
    %add3A_18 = arith.addi %iota3A, %add3A_17 : vector<16xi32>
    %add3A_19 = arith.constant 64 : i32
    %add3A_20 = vector.broadcast %add3A_19 : i32 to vector<16xi32>
    %add3A_21 = arith.addi %iota3A, %add3A_20 : vector<16xi32>
    %add3A_22 = arith.constant 80 : i32
    %add3A_23 = vector.broadcast %add3A_22 : i32 to vector<16xi32>
    %add3A_24 = arith.addi %iota3A, %add3A_23 : vector<16xi32>
    %add3A_25 = arith.constant 96 : i32
    %add3A_26 = vector.broadcast %add3A_25 : i32 to vector<16xi32>
    %add3A_27 = arith.addi %iota3A, %add3A_26 : vector<16xi32>
    %add3A_28 = arith.constant 112 : i32
    %add3A_29 = vector.broadcast %add3A_28 : i32 to vector<16xi32>
    %add3A_30 = arith.addi %iota3A, %add3A_29 : vector<16xi32>
    %scan3A = arith.constant 0 : i32
    %scan3A_31 = arith.constant 0 : i32
    %scan3A_32 = arith.constant 5 : i32
    %scan3A_33 = arith.addi %scan3A_31, %scan3A_32 : i32
    %scan3A_34 = arith.constant 1 : i32
    scf.for %scan3A_42 = %scan3A_31 to %scan3A_33 step %scan3A_34  : i32 {
      %mul3A_43 = arith.constant 2000 : i32
      %mul3A_44 = arith.muli %scan3A_42, %mul3A_43 : i32
      %add3A_45 = arith.addi %mul3A_2, %mul3A_44 : i32
      "tpu.region"() ({
        %run_scoped3A = tpu.sem_alloc : memref<!tpu.dma_semaphore, #tpu.memory_space<semaphore_mem>>
        %dma_start3A_113 = tpu.memref_slice %arg3[%add3A_45] : memref<320000xi32, #tpu.memory_space<hbm>> -> memref<2000xi32, #tpu.memory_space<hbm>>
        %dma_start3A_114 = tpu.memref_slice %arg3[%add3A_45] : memref<320000xi32, #tpu.memory_space<hbm>> -> memref<2000xi32, #tpu.memory_space<hbm>>
        tpu.enqueue_dma source(%dma_start3A_114 : memref<2000xi32, #tpu.memory_space<hbm>>) target(%arg9 : memref<2000xi32, #tpu.memory_space<vmem>>) target_semaphore(%run_scoped3A : memref<!tpu.dma_semaphore, #tpu.memory_space<semaphore_mem>>)
        %dma_wait3A = tpu.memref_slice %arg3[%add3A_45] : memref<320000xi32, #tpu.memory_space<hbm>> -> memref<2000xi32, #tpu.memory_space<hbm>>
        %dma_wait3A_115 = tpu.memref_slice %arg3[%add3A_45] : memref<320000xi32, #tpu.memory_space<hbm>> -> memref<2000xi32, #tpu.memory_space<hbm>>
        tpu.wait_dma2 semaphore(%run_scoped3A : memref<!tpu.dma_semaphore, #tpu.memory_space<semaphore_mem>>) src(%dma_wait3A_115 : memref<2000xi32, #tpu.memory_space<hbm>>) dst(%arg9 : memref<2000xi32, #tpu.memory_space<vmem>>)
        tpu.yield
      }) : () -> ()
      "tpu.region"() ({
        %run_scoped3A = tpu.sem_alloc : memref<!tpu.dma_semaphore, #tpu.memory_space<semaphore_mem>>
        %dma_start3A_113 = tpu.memref_slice %arg4[%add3A_45] : memref<320000xi32, #tpu.memory_space<hbm>> -> memref<2000xi32, #tpu.memory_space<hbm>>
        %dma_start3A_114 = tpu.memref_slice %arg4[%add3A_45] : memref<320000xi32, #tpu.memory_space<hbm>> -> memref<2000xi32, #tpu.memory_space<hbm>>
        tpu.enqueue_dma source(%dma_start3A_114 : memref<2000xi32, #tpu.memory_space<hbm>>) target(%arg10 : memref<2000xi32, #tpu.memory_space<vmem>>) target_semaphore(%run_scoped3A : memref<!tpu.dma_semaphore, #tpu.memory_space<semaphore_mem>>)
        %dma_wait3A = tpu.memref_slice %arg4[%add3A_45] : memref<320000xi32, #tpu.memory_space<hbm>> -> memref<2000xi32, #tpu.memory_space<hbm>>
        %dma_wait3A_115 = tpu.memref_slice %arg4[%add3A_45] : memref<320000xi32, #tpu.memory_space<hbm>> -> memref<2000xi32, #tpu.memory_space<hbm>>
        tpu.wait_dma2 semaphore(%run_scoped3A : memref<!tpu.dma_semaphore, #tpu.memory_space<semaphore_mem>>) src(%dma_wait3A_115 : memref<2000xi32, #tpu.memory_space<hbm>>) dst(%arg10 : memref<2000xi32, #tpu.memory_space<vmem>>)
        tpu.yield
      }) : () -> ()
      "tpu.region"() ({
        %run_scoped3A = tpu.sem_alloc : memref<!tpu.dma_semaphore, #tpu.memory_space<semaphore_mem>>
        %dma_start3A_113 = tpu.memref_slice %arg5[%add3A_45] : memref<320000xi32, #tpu.memory_space<hbm>> -> memref<2000xi32, #tpu.memory_space<hbm>>
        %dma_start3A_114 = tpu.memref_slice %arg5[%add3A_45] : memref<320000xi32, #tpu.memory_space<hbm>> -> memref<2000xi32, #tpu.memory_space<hbm>>
        tpu.enqueue_dma source(%dma_start3A_114 : memref<2000xi32, #tpu.memory_space<hbm>>) target(%arg11 : memref<2000xi32, #tpu.memory_space<vmem>>) target_semaphore(%run_scoped3A : memref<!tpu.dma_semaphore, #tpu.memory_space<semaphore_mem>>)
        %dma_wait3A = tpu.memref_slice %arg5[%add3A_45] : memref<320000xi32, #tpu.memory_space<hbm>> -> memref<2000xi32, #tpu.memory_space<hbm>>
        %dma_wait3A_115 = tpu.memref_slice %arg5[%add3A_45] : memref<320000xi32, #tpu.memory_space<hbm>> -> memref<2000xi32, #tpu.memory_space<hbm>>
        tpu.wait_dma2 semaphore(%run_scoped3A : memref<!tpu.dma_semaphore, #tpu.memory_space<semaphore_mem>>) src(%dma_wait3A_115 : memref<2000xi32, #tpu.memory_space<hbm>>) dst(%arg11 : memref<2000xi32, #tpu.memory_space<vmem>>)
        tpu.yield
      }) : () -> ()
      "tpu.region"() ({
        %run_scoped3A = tpu.sem_alloc : memref<!tpu.dma_semaphore, #tpu.memory_space<semaphore_mem>>
        %dma_start3A_113 = tpu.memref_slice %arg6[%add3A_45] : memref<320000xf32, #tpu.memory_space<hbm>> -> memref<2000xf32, #tpu.memory_space<hbm>>
        %dma_start3A_114 = tpu.memref_slice %arg6[%add3A_45] : memref<320000xf32, #tpu.memory_space<hbm>> -> memref<2000xf32, #tpu.memory_space<hbm>>
        tpu.enqueue_dma source(%dma_start3A_114 : memref<2000xf32, #tpu.memory_space<hbm>>) target(%arg12 : memref<2000xf32, #tpu.memory_space<vmem>>) target_semaphore(%run_scoped3A : memref<!tpu.dma_semaphore, #tpu.memory_space<semaphore_mem>>)
        %dma_wait3A = tpu.memref_slice %arg6[%add3A_45] : memref<320000xf32, #tpu.memory_space<hbm>> -> memref<2000xf32, #tpu.memory_space<hbm>>
        %dma_wait3A_115 = tpu.memref_slice %arg6[%add3A_45] : memref<320000xf32, #tpu.memory_space<hbm>> -> memref<2000xf32, #tpu.memory_space<hbm>>
        tpu.wait_dma2 semaphore(%run_scoped3A : memref<!tpu.dma_semaphore, #tpu.memory_space<semaphore_mem>>) src(%dma_wait3A_115 : memref<2000xf32, #tpu.memory_space<hbm>>) dst(%arg12 : memref<2000xf32, #tpu.memory_space<vmem>>)
        tpu.yield
      }) : () -> ()
      %broadcast_in_dim3A = arith.constant 0 : i32
      %broadcast_in_dim3A_46 = vector.broadcast %broadcast_in_dim3A : i32 to vector<16xi32>
      %get3A = arith.constant 0 : index
      %get3A_47 = tpu.vector_load %arg9[%get3A] {strides = array<i32>} : memref<2000xi32, #tpu.memory_space<vmem>>, vector<16xi32>,
      %get3A_48 = arith.constant 0 : index
      %get3A_49 = tpu.vector_load %arg10[%get3A_48] {strides = array<i32>} : memref<2000xi32, #tpu.memory_space<vmem>>, vector<16xi32>,
      %get3A_50 = arith.constant 0 : index
      %get3A_51 = tpu.vector_load %arg11[%get3A_50] {strides = array<i32>} : memref<2000xi32, #tpu.memory_space<vmem>>, vector<16xi32>,
      %mul3A_52 = arith.constant 10000 : i32
      %mul3A_53 = vector.broadcast %mul3A_52 : i32 to vector<16xi32>
      %mul3A_54 = arith.muli %get3A_49, %mul3A_53 : vector<16xi32>
      %add3A_55 = arith.addi %mul3A_54, %get3A_47 : vector<16xi32>
      tpu.vector_store_idx %arg13[%broadcast_in_dim3A_46, %add3A_9], %add3A_55 : memref<3x80xi32, #tpu.memory_space<vmem>>[vector<16xi32>, vector<16xi32>], vector<16xi32>,
      tpu.vector_store_idx %arg14[%broadcast_in_dim3A_46, %add3A_9], %get3A_51 : memref<3x80xi32, #tpu.memory_space<vmem>>[vector<16xi32>, vector<16xi32>], vector<16xi32>,
      %get3A_56 = arith.constant 16 : index
      %get3A_57 = tpu.vector_load %arg9[%get3A_56] {strides = array<i32>} : memref<2000xi32, #tpu.memory_space<vmem>>, vector<16xi32>,
      %get3A_58 = arith.constant 16 : index
      %get3A_59 = tpu.vector_load %arg10[%get3A_58] {strides = array<i32>} : memref<2000xi32, #tpu.memory_space<vmem>>, vector<16xi32>,
      %get3A_60 = arith.constant 16 : index
      %get3A_61 = tpu.vector_load %arg11[%get3A_60] {strides = array<i32>} : memref<2000xi32, #tpu.memory_space<vmem>>, vector<16xi32>,
      %mul3A_62 = arith.constant 10000 : i32
      %mul3A_63 = vector.broadcast %mul3A_62 : i32 to vector<16xi32>
      %mul3A_64 = arith.muli %get3A_59, %mul3A_63 : vector<16xi32>
      %add3A_65 = arith.addi %mul3A_64, %get3A_57 : vector<16xi32>
      tpu.vector_store_idx %arg13[%broadcast_in_dim3A_46, %add3A_12], %add3A_65 : memref<3x80xi32, #tpu.memory_space<vmem>>[vector<16xi32>, vector<16xi32>], vector<16xi32>,
      tpu.vector_store_idx %arg14[%broadcast_in_dim3A_46, %add3A_12], %get3A_61 : memref<3x80xi32, #tpu.memory_space<vmem>>[vector<16xi32>, vector<16xi32>], vector<16xi32>,
      %get3A_66 = arith.constant 32 : index
      %get3A_67 = tpu.vector_load %arg9[%get3A_66] {strides = array<i32>} : memref<2000xi32, #tpu.memory_space<vmem>>, vector<16xi32>,
      %get3A_68 = arith.constant 32 : index
      %get3A_69 = tpu.vector_load %arg10[%get3A_68] {strides = array<i32>} : memref<2000xi32, #tpu.memory_space<vmem>>, vector<16xi32>,
      %get3A_70 = arith.constant 32 : index
      %get3A_71 = tpu.vector_load %arg11[%get3A_70] {strides = array<i32>} : memref<2000xi32, #tpu.memory_space<vmem>>, vector<16xi32>,
      %mul3A_72 = arith.constant 10000 : i32
      %mul3A_73 = vector.broadcast %mul3A_72 : i32 to vector<16xi32>
      %mul3A_74 = arith.muli %get3A_69, %mul3A_73 : vector<16xi32>
      %add3A_75 = arith.addi %mul3A_74, %get3A_67 : vector<16xi32>
      tpu.vector_store_idx %arg13[%broadcast_in_dim3A_46, %add3A_15], %add3A_75 : memref<3x80xi32, #tpu.memory_space<vmem>>[vector<16xi32>, vector<16xi32>], vector<16xi32>,
      tpu.vector_store_idx %arg14[%broadcast_in_dim3A_46, %add3A_15], %get3A_71 : memref<3x80xi32, #tpu.memory_space<vmem>>[vector<16xi32>, vector<16xi32>], vector<16xi32>,
      %get3A_76 = arith.constant 48 : index
      %get3A_77 = tpu.vector_load %arg9[%get3A_76] {strides = array<i32>} : memref<2000xi32, #tpu.memory_space<vmem>>, vector<16xi32>,
      %get3A_78 = arith.constant 48 : index
      %get3A_79 = tpu.vector_load %arg10[%get3A_78] {strides = array<i32>} : memref<2000xi32, #tpu.memory_space<vmem>>, vector<16xi32>,
      %get3A_80 = arith.constant 48 : index
      %get3A_81 = tpu.vector_load %arg11[%get3A_80] {strides = array<i32>} : memref<2000xi32, #tpu.memory_space<vmem>>, vector<16xi32>,
      %mul3A_82 = arith.constant 10000 : i32
      %mul3A_83 = vector.broadcast %mul3A_82 : i32 to vector<16xi32>
      %mul3A_84 = arith.muli %get3A_79, %mul3A_83 : vector<16xi32>
      %add3A_85 = arith.addi %mul3A_84, %get3A_77 : vector<16xi32>
      tpu.vector_store_idx %arg13[%broadcast_in_dim3A_46, %add3A_18], %add3A_85 : memref<3x80xi32, #tpu.memory_space<vmem>>[vector<16xi32>, vector<16xi32>], vector<16xi32>,
      tpu.vector_store_idx %arg14[%broadcast_in_dim3A_46, %add3A_18], %get3A_81 : memref<3x80xi32, #tpu.memory_space<vmem>>[vector<16xi32>, vector<16xi32>], vector<16xi32>,
      %get3A_86 = arith.constant 64 : index
      %get3A_87 = tpu.vector_load %arg9[%get3A_86] {strides = array<i32>} : memref<2000xi32, #tpu.memory_space<vmem>>, vector<16xi32>,
      %get3A_88 = arith.constant 64 : index
      %get3A_89 = tpu.vector_load %arg10[%get3A_88] {strides = array<i32>} : memref<2000xi32, #tpu.memory_space<vmem>>, vector<16xi32>,
      %get3A_90 = arith.constant 64 : index
      %get3A_91 = tpu.vector_load %arg11[%get3A_90] {strides = array<i32>} : memref<2000xi32, #tpu.memory_space<vmem>>, vector<16xi32>,
      %mul3A_92 = arith.constant 10000 : i32
      %mul3A_93 = vector.broadcast %mul3A_92 : i32 to vector<16xi32>
      %mul3A_94 = arith.muli %get3A_89, %mul3A_93 : vector<16xi32>
      %add3A_95 = arith.addi %mul3A_94, %get3A_87 : vector<16xi32>
      tpu.vector_store_idx %arg13[%broadcast_in_dim3A_46, %add3A_21], %add3A_95 : memref<3x80xi32, #tpu.memory_space<vmem>>[vector<16xi32>, vector<16xi32>], vector<16xi32>,
      tpu.vector_store_idx %arg14[%broadcast_in_dim3A_46, %add3A_21], %get3A_91 : memref<3x80xi32, #tpu.memory_space<vmem>>[vector<16xi32>, vector<16xi32>], vector<16xi32>,
      %dma_start3A = arith.constant 0 : i32
      %dma_start3A_96 = arith.constant 0 : i32
      %dma_start3A_97 = arith.constant 0 : i32
      %dma_start3A_98 = arith.constant 0 : i32
      %dma_start3A_99 = tpu.memref_slice %arg15[%dma_start3A_96, %dma_start3A_97, %dma_start3A_98] : memref<2x80x128xf32, #tpu.memory_space<vmem>> -> memref<1x80x128xf32, #tpu.memory_space<vmem>>
      %dma_start3A_100 = tpu.memref_squeeze %dma_start3A_99 : memref<1x80x128xf32, #tpu.memory_space<vmem>> -> memref<80x128xf32, #tpu.memory_space<vmem>>
      %dma_start3A_101 = arith.constant 0 : i32
      %dma_start3A_102 = tpu.memref_slice %arg13[%dma_start3A, %dma_start3A_101] : memref<3x80xi32, #tpu.memory_space<vmem>> -> memref<1x80xi32, #tpu.memory_space<vmem>>
      %dma_start3A_103 = tpu.memref_squeeze %dma_start3A_102 : memref<1x80xi32, #tpu.memory_space<vmem>> -> memref<80xi32, #tpu.memory_space<vmem>>
      %dma_start3A_104 = arith.constant 0 : i32
      %dma_start3A_105 = arith.constant 0 : i32
      %dma_start3A_106 = tpu.memref_slice %arg2[%dma_start3A_104, %dma_start3A_105] : memref<330000x128xf32, #tpu.memory_space<hbm>> -> memref<330000x128xf32, #tpu.memory_space<hbm>>
      tpu.enqueue_indirect_dma source(%dma_start3A_106 : memref<330000x128xf32, #tpu.memory_space<hbm>>) target(%dma_start3A_100 : memref<80x128xf32, #tpu.memory_space<vmem>>) offsets(%dma_start3A_103 : memref<80xi32, #tpu.memory_space<vmem>>) semaphore(%arg18 : memref<!tpu.dma_semaphore, #tpu.memory_space<semaphore_mem>>)
      %scan3A_107 = arith.constant 0 : i32
      %scan3A_108 = arith.constant 0 : i32
      %scan3A_109 = arith.constant 25 : i32
      %scan3A_110 = arith.addi %scan3A_108, %scan3A_109 : i32
      %scan3A_111 = arith.constant 1 : i32
      scf.for %scan3A_113 = %scan3A_108 to %scan3A_110 step %scan3A_111  : i32 {
        %rem3A = arith.constant 2 : i32
        %rem3A_114 = arith.remsi %scan3A_113, %rem3A : i32
        %rem3A_115 = arith.constant 3 : i32
        %rem3A_116 = arith.remsi %scan3A_113, %rem3A_115 : i32
        %dma_wait3A = arith.constant 0 : i32
        %dma_wait3A_117 = arith.constant 0 : i32
        %dma_wait3A_118 = tpu.memref_slice %arg15[%rem3A_114, %dma_wait3A, %dma_wait3A_117] : memref<2x80x128xf32, #tpu.memory_space<vmem>> -> memref<1x80x128xf32, #tpu.memory_space<vmem>>
        %dma_wait3A_119 = tpu.memref_squeeze %dma_wait3A_118 : memref<1x80x128xf32, #tpu.memory_space<vmem>> -> memref<80x128xf32, #tpu.memory_space<vmem>>
        %dma_wait3A_120 = arith.constant 0 : i32
        %dma_wait3A_121 = tpu.memref_slice %arg13[%rem3A_116, %dma_wait3A_120] : memref<3x80xi32, #tpu.memory_space<vmem>> -> memref<1x80xi32, #tpu.memory_space<vmem>>
        %dma_wait3A_122 = tpu.memref_squeeze %dma_wait3A_121 : memref<1x80xi32, #tpu.memory_space<vmem>> -> memref<80xi32, #tpu.memory_space<vmem>>
        %dma_wait3A_123 = arith.constant 0 : i32
        %dma_wait3A_124 = arith.constant 0 : i32
        %dma_wait3A_125 = tpu.memref_slice %arg2[%dma_wait3A_123, %dma_wait3A_124] : memref<330000x128xf32, #tpu.memory_space<hbm>> -> memref<330000x128xf32, #tpu.memory_space<hbm>>
        tpu.wait_indirect_dma semaphore(%arg18 : memref<!tpu.dma_semaphore, #tpu.memory_space<semaphore_mem>>) src(%dma_wait3A_125 : memref<330000x128xf32, #tpu.memory_space<hbm>>) dst(%dma_wait3A_119 : memref<80x128xf32, #tpu.memory_space<vmem>>)
        %add3A_126 = arith.constant 1 : i32
        %add3A_127 = arith.addi %scan3A_113, %add3A_126 : i32
        %lt3A = arith.constant 25 : i32
        %lt3A_128 = arith.cmpi slt, %add3A_127, %lt3A : i32
        %convert_element_type3A_129 = arith.extui %lt3A_128 : i1 to i32
        %cond3A_130 = arith.constant 0 : i32
        %cond3A_131 = arith.cmpi ne, %convert_element_type3A_129, %cond3A_130 : i32
        scf.if %cond3A_131 {
          %add3A_137 = arith.constant 1 : i32
          %add3A_138 = arith.addi %scan3A_113, %add3A_137 : i32
          %add3A_139 = arith.constant 1 : i32
          %add3A_140 = arith.addi %scan3A_113, %add3A_139 : i32
          %rem3A_141 = arith.constant 3 : i32
          %rem3A_142 = arith.remsi %add3A_140, %rem3A_141 : i32
          %mul3A_143 = arith.constant 80 : i32
          %mul3A_144 = arith.muli %add3A_138, %mul3A_143 : i32
          %broadcast_in_dim3A_145 = vector.broadcast %rem3A_142 : i32 to vector<16xi32>
          %add3A_146 = arith.constant 0 : i32
          %add3A_147 = arith.addi %mul3A_144, %add3A_146 : i32
          %get3A_148 = arith.index_cast %add3A_147 : i32 to index
          %get3A_149 = tpu.vector_load %arg9[%get3A_148] {strides = array<i32>} : memref<2000xi32, #tpu.memory_space<vmem>>, vector<16xi32>,
          %add3A_150 = arith.constant 0 : i32
          %add3A_151 = arith.addi %mul3A_144, %add3A_150 : i32
          %get3A_152 = arith.index_cast %add3A_151 : i32 to index
          %get3A_153 = tpu.vector_load %arg10[%get3A_152] {strides = array<i32>} : memref<2000xi32, #tpu.memory_space<vmem>>, vector<16xi32>,
          %add3A_154 = arith.constant 0 : i32
          %add3A_155 = arith.addi %mul3A_144, %add3A_154 : i32
          %get3A_156 = arith.index_cast %add3A_155 : i32 to index
          %get3A_157 = tpu.vector_load %arg11[%get3A_156] {strides = array<i32>} : memref<2000xi32, #tpu.memory_space<vmem>>, vector<16xi32>,
          %mul3A_158 = arith.constant 10000 : i32
          %mul3A_159 = vector.broadcast %mul3A_158 : i32 to vector<16xi32>
          %mul3A_160 = arith.muli %get3A_153, %mul3A_159 : vector<16xi32>
          %add3A_161 = arith.addi %mul3A_160, %get3A_149 : vector<16xi32>
          tpu.vector_store_idx %arg13[%broadcast_in_dim3A_145, %add3A_9], %add3A_161 : memref<3x80xi32, #tpu.memory_space<vmem>>[vector<16xi32>, vector<16xi32>], vector<16xi32>,
          tpu.vector_store_idx %arg14[%broadcast_in_dim3A_145, %add3A_9], %get3A_157 : memref<3x80xi32, #tpu.memory_space<vmem>>[vector<16xi32>, vector<16xi32>], vector<16xi32>,
          %add3A_162 = arith.constant 16 : i32
          %add3A_163 = arith.addi %mul3A_144, %add3A_162 : i32
          %get3A_164 = arith.index_cast %add3A_163 : i32 to index
          %get3A_165 = tpu.vector_load %arg9[%get3A_164] {strides = array<i32>} : memref<2000xi32, #tpu.memory_space<vmem>>, vector<16xi32>,
          %add3A_166 = arith.constant 16 : i32
          %add3A_167 = arith.addi %mul3A_144, %add3A_166 : i32
          %get3A_168 = arith.index_cast %add3A_167 : i32 to index
          %get3A_169 = tpu.vector_load %arg10[%get3A_168] {strides = array<i32>} : memref<2000xi32, #tpu.memory_space<vmem>>, vector<16xi32>,
          %add3A_170 = arith.constant 16 : i32
          %add3A_171 = arith.addi %mul3A_144, %add3A_170 : i32
          %get3A_172 = arith.index_cast %add3A_171 : i32 to index
          %get3A_173 = tpu.vector_load %arg11[%get3A_172] {strides = array<i32>} : memref<2000xi32, #tpu.memory_space<vmem>>, vector<16xi32>,
          %mul3A_174 = arith.constant 10000 : i32
          %mul3A_175 = vector.broadcast %mul3A_174 : i32 to vector<16xi32>
          %mul3A_176 = arith.muli %get3A_169, %mul3A_175 : vector<16xi32>
          %add3A_177 = arith.addi %mul3A_176, %get3A_165 : vector<16xi32>
          tpu.vector_store_idx %arg13[%broadcast_in_dim3A_145, %add3A_12], %add3A_177 : memref<3x80xi32, #tpu.memory_space<vmem>>[vector<16xi32>, vector<16xi32>], vector<16xi32>,
          tpu.vector_store_idx %arg14[%broadcast_in_dim3A_145, %add3A_12], %get3A_173 : memref<3x80xi32, #tpu.memory_space<vmem>>[vector<16xi32>, vector<16xi32>], vector<16xi32>,
          %add3A_178 = arith.constant 32 : i32
          %add3A_179 = arith.addi %mul3A_144, %add3A_178 : i32
          %get3A_180 = arith.index_cast %add3A_179 : i32 to index
          %get3A_181 = tpu.vector_load %arg9[%get3A_180] {strides = array<i32>} : memref<2000xi32, #tpu.memory_space<vmem>>, vector<16xi32>,
          %add3A_182 = arith.constant 32 : i32
          %add3A_183 = arith.addi %mul3A_144, %add3A_182 : i32
          %get3A_184 = arith.index_cast %add3A_183 : i32 to index
          %get3A_185 = tpu.vector_load %arg10[%get3A_184] {strides = array<i32>} : memref<2000xi32, #tpu.memory_space<vmem>>, vector<16xi32>,
          %add3A_186 = arith.constant 32 : i32
          %add3A_187 = arith.addi %mul3A_144, %add3A_186 : i32
          %get3A_188 = arith.index_cast %add3A_187 : i32 to index
          %get3A_189 = tpu.vector_load %arg11[%get3A_188] {strides = array<i32>} : memref<2000xi32, #tpu.memory_space<vmem>>, vector<16xi32>,
          %mul3A_190 = arith.constant 10000 : i32
          %mul3A_191 = vector.broadcast %mul3A_190 : i32 to vector<16xi32>
          %mul3A_192 = arith.muli %get3A_185, %mul3A_191 : vector<16xi32>
          %add3A_193 = arith.addi %mul3A_192, %get3A_181 : vector<16xi32>
          tpu.vector_store_idx %arg13[%broadcast_in_dim3A_145, %add3A_15], %add3A_193 : memref<3x80xi32, #tpu.memory_space<vmem>>[vector<16xi32>, vector<16xi32>], vector<16xi32>,
          tpu.vector_store_idx %arg14[%broadcast_in_dim3A_145, %add3A_15], %get3A_189 : memref<3x80xi32, #tpu.memory_space<vmem>>[vector<16xi32>, vector<16xi32>], vector<16xi32>,
          %add3A_194 = arith.constant 48 : i32
          %add3A_195 = arith.addi %mul3A_144, %add3A_194 : i32
          %get3A_196 = arith.index_cast %add3A_195 : i32 to index
          %get3A_197 = tpu.vector_load %arg9[%get3A_196] {strides = array<i32>} : memref<2000xi32, #tpu.memory_space<vmem>>, vector<16xi32>,
          %add3A_198 = arith.constant 48 : i32
          %add3A_199 = arith.addi %mul3A_144, %add3A_198 : i32
          %get3A_200 = arith.index_cast %add3A_199 : i32 to index
          %get3A_201 = tpu.vector_load %arg10[%get3A_200] {strides = array<i32>} : memref<2000xi32, #tpu.memory_space<vmem>>, vector<16xi32>,
          %add3A_202 = arith.constant 48 : i32
          %add3A_203 = arith.addi %mul3A_144, %add3A_202 : i32
          %get3A_204 = arith.index_cast %add3A_203 : i32 to index
          %get3A_205 = tpu.vector_load %arg11[%get3A_204] {strides = array<i32>} : memref<2000xi32, #tpu.memory_space<vmem>>, vector<16xi32>,
          %mul3A_206 = arith.constant 10000 : i32
          %mul3A_207 = vector.broadcast %mul3A_206 : i32 to vector<16xi32>
          %mul3A_208 = arith.muli %get3A_201, %mul3A_207 : vector<16xi32>
          %add3A_209 = arith.addi %mul3A_208, %get3A_197 : vector<16xi32>
          tpu.vector_store_idx %arg13[%broadcast_in_dim3A_145, %add3A_18], %add3A_209 : memref<3x80xi32, #tpu.memory_space<vmem>>[vector<16xi32>, vector<16xi32>], vector<16xi32>,
          tpu.vector_store_idx %arg14[%broadcast_in_dim3A_145, %add3A_18], %get3A_205 : memref<3x80xi32, #tpu.memory_space<vmem>>[vector<16xi32>, vector<16xi32>], vector<16xi32>,
          %add3A_210 = arith.constant 64 : i32
          %add3A_211 = arith.addi %mul3A_144, %add3A_210 : i32
          %get3A_212 = arith.index_cast %add3A_211 : i32 to index
          %get3A_213 = tpu.vector_load %arg9[%get3A_212] {strides = array<i32>} : memref<2000xi32, #tpu.memory_space<vmem>>, vector<16xi32>,
          %add3A_214 = arith.constant 64 : i32
          %add3A_215 = arith.addi %mul3A_144, %add3A_214 : i32
          %get3A_216 = arith.index_cast %add3A_215 : i32 to index
          %get3A_217 = tpu.vector_load %arg10[%get3A_216] {strides = array<i32>} : memref<2000xi32, #tpu.memory_space<vmem>>, vector<16xi32>,
          %add3A_218 = arith.constant 64 : i32
          %add3A_219 = arith.addi %mul3A_144, %add3A_218 : i32
          %get3A_220 = arith.index_cast %add3A_219 : i32 to index
          %get3A_221 = tpu.vector_load %arg11[%get3A_220] {strides = array<i32>} : memref<2000xi32, #tpu.memory_space<vmem>>, vector<16xi32>,
          %mul3A_222 = arith.constant 10000 : i32
          %mul3A_223 = vector.broadcast %mul3A_222 : i32 to vector<16xi32>
          %mul3A_224 = arith.muli %get3A_217, %mul3A_223 : vector<16xi32>
          %add3A_225 = arith.addi %mul3A_224, %get3A_213 : vector<16xi32>
          tpu.vector_store_idx %arg13[%broadcast_in_dim3A_145, %add3A_21], %add3A_225 : memref<3x80xi32, #tpu.memory_space<vmem>>[vector<16xi32>, vector<16xi32>], vector<16xi32>,
          tpu.vector_store_idx %arg14[%broadcast_in_dim3A_145, %add3A_21], %get3A_221 : memref<3x80xi32, #tpu.memory_space<vmem>>[vector<16xi32>, vector<16xi32>], vector<16xi32>,
          %add3A_226 = arith.constant 1 : i32
          %add3A_227 = arith.addi %scan3A_113, %add3A_226 : i32
          %rem3A_228 = arith.constant 3 : i32
          %rem3A_229 = arith.remsi %add3A_227, %rem3A_228 : i32
          %add3A_230 = arith.constant 1 : i32
          %add3A_231 = arith.addi %scan3A_113, %add3A_230 : i32
          %rem3A_232 = arith.constant 2 : i32
          %rem3A_233 = arith.remsi %add3A_231, %rem3A_232 : i32
          %dma_start3A_234 = arith.constant 0 : i32
          %dma_start3A_235 = arith.constant 0 : i32
          %dma_start3A_236 = tpu.memref_slice %arg15[%rem3A_233, %dma_start3A_234, %dma_start3A_235] : memref<2x80x128xf32, #tpu.memory_space<vmem>> -> memref<1x80x128xf32, #tpu.memory_space<vmem>>
          %dma_start3A_237 = tpu.memref_squeeze %dma_start3A_236 : memref<1x80x128xf32, #tpu.memory_space<vmem>> -> memref<80x128xf32, #tpu.memory_space<vmem>>
          %dma_start3A_238 = arith.constant 0 : i32
          %dma_start3A_239 = tpu.memref_slice %arg13[%rem3A_229, %dma_start3A_238] : memref<3x80xi32, #tpu.memory_space<vmem>> -> memref<1x80xi32, #tpu.memory_space<vmem>>
          %dma_start3A_240 = tpu.memref_squeeze %dma_start3A_239 : memref<1x80xi32, #tpu.memory_space<vmem>> -> memref<80xi32, #tpu.memory_space<vmem>>
          %dma_start3A_241 = arith.constant 0 : i32
          %dma_start3A_242 = arith.constant 0 : i32
          %dma_start3A_243 = tpu.memref_slice %arg2[%dma_start3A_241, %dma_start3A_242] : memref<330000x128xf32, #tpu.memory_space<hbm>> -> memref<330000x128xf32, #tpu.memory_space<hbm>>
          tpu.enqueue_indirect_dma source(%dma_start3A_243 : memref<330000x128xf32, #tpu.memory_space<hbm>>) target(%dma_start3A_237 : memref<80x128xf32, #tpu.memory_space<vmem>>) offsets(%dma_start3A_240 : memref<80xi32, #tpu.memory_space<vmem>>) semaphore(%arg18 : memref<!tpu.dma_semaphore, #tpu.memory_space<semaphore_mem>>)
        } else {
        }
        %mul3A_132 = arith.constant 80 : i32
        %mul3A_133 = arith.muli %scan3A_113, %mul3A_132 : i32
        %broadcast_in_dim3A_134 = vector.broadcast %rem3A_114 : i32 to vector<16xi32>
        %parallel_loop3A = arith.constant 0 : i32
        %parallel_loop3A_135 = arith.constant 80 : i32
        %parallel_loop3A_136 = arith.constant 1 : i32
        scf.for %parallel_loop3A_137 = %parallel_loop3A to %parallel_loop3A_135 step %parallel_loop3A_136  : i32 {
          %parallel_loop3A_138 = arith.constant 4 : i32
          %parallel_loop3A_139 = arith.shrsi %parallel_loop3A_137, %parallel_loop3A_138 : i32
          %parallel_loop3A_140 = arith.constant 4 : i32
          %parallel_loop3A_141 = arith.shli %parallel_loop3A_139, %parallel_loop3A_140 : i32
          %parallel_loop3A_142 = arith.addi %mul3A_133, %parallel_loop3A_141 : i32
          %parallel_loop3A_143 = arith.index_cast %parallel_loop3A_142 : i32 to index
          %parallel_loop3A_144 = tpu.vector_load %arg12[%parallel_loop3A_143] {strides = array<i32>} : memref<2000xf32, #tpu.memory_space<vmem>>, vector<16xf32>,
          %parallel_loop3A_145 = arith.subi %parallel_loop3A_137, %parallel_loop3A_141 : i32
          %parallel_loop3A_146 = vector.broadcast %parallel_loop3A_145 : i32 to vector<16x1xi32>
          %parallel_loop3A_147 = vector.shape_cast %parallel_loop3A_146 : vector<16x1xi32> to vector<16xi32>
          %parallel_loop3A_148 = tpu.dynamic_gather %parallel_loop3A_144[%parallel_loop3A_147] in [0] : vector<16xf32>, vector<16xi32> -> vector<16xf32>
          %parallel_loop3A_149 = vector.broadcast %parallel_loop3A_137 : i32 to vector<16xi32>
          %parallel_loop3A_150 = tpu.vector_load_idx %arg15[%broadcast_in_dim3A_134, %parallel_loop3A_149, %add3A_9] : memref<2x80x128xf32, #tpu.memory_space<vmem>>[vector<16xi32>, vector<16xi32>, vector<16xi32>], vector<16xf32>,
          %parallel_loop3A_151 = arith.mulf %parallel_loop3A_150, %parallel_loop3A_148 : vector<16xf32>
          tpu.vector_store_idx %arg16[%broadcast_in_dim3A_134, %parallel_loop3A_149, %add3A_9], %parallel_loop3A_151 : memref<2x80x128xf32, #tpu.memory_space<vmem>>[vector<16xi32>, vector<16xi32>, vector<16xi32>], vector<16xf32>,
          %parallel_loop3A_152 = tpu.vector_load_idx %arg15[%broadcast_in_dim3A_134, %parallel_loop3A_149, %add3A_12] : memref<2x80x128xf32, #tpu.memory_space<vmem>>[vector<16xi32>, vector<16xi32>, vector<16xi32>], vector<16xf32>,
          %parallel_loop3A_153 = arith.mulf %parallel_loop3A_152, %parallel_loop3A_148 : vector<16xf32>
          tpu.vector_store_idx %arg16[%broadcast_in_dim3A_134, %parallel_loop3A_149, %add3A_12], %parallel_loop3A_153 : memref<2x80x128xf32, #tpu.memory_space<vmem>>[vector<16xi32>, vector<16xi32>, vector<16xi32>], vector<16xf32>,
          %parallel_loop3A_154 = tpu.vector_load_idx %arg15[%broadcast_in_dim3A_134, %parallel_loop3A_149, %add3A_15] : memref<2x80x128xf32, #tpu.memory_space<vmem>>[vector<16xi32>, vector<16xi32>, vector<16xi32>], vector<16xf32>,
          %parallel_loop3A_155 = arith.mulf %parallel_loop3A_154, %parallel_loop3A_148 : vector<16xf32>
          tpu.vector_store_idx %arg16[%broadcast_in_dim3A_134, %parallel_loop3A_149, %add3A_15], %parallel_loop3A_155 : memref<2x80x128xf32, #tpu.memory_space<vmem>>[vector<16xi32>, vector<16xi32>, vector<16xi32>], vector<16xf32>,
          %parallel_loop3A_156 = tpu.vector_load_idx %arg15[%broadcast_in_dim3A_134, %parallel_loop3A_149, %add3A_18] : memref<2x80x128xf32, #tpu.memory_space<vmem>>[vector<16xi32>, vector<16xi32>, vector<16xi32>], vector<16xf32>,
          %parallel_loop3A_157 = arith.mulf %parallel_loop3A_156, %parallel_loop3A_148 : vector<16xf32>
          tpu.vector_store_idx %arg16[%broadcast_in_dim3A_134, %parallel_loop3A_149, %add3A_18], %parallel_loop3A_157 : memref<2x80x128xf32, #tpu.memory_space<vmem>>[vector<16xi32>, vector<16xi32>, vector<16xi32>], vector<16xf32>,
          %parallel_loop3A_158 = tpu.vector_load_idx %arg15[%broadcast_in_dim3A_134, %parallel_loop3A_149, %add3A_21] : memref<2x80x128xf32, #tpu.memory_space<vmem>>[vector<16xi32>, vector<16xi32>, vector<16xi32>], vector<16xf32>,
          %parallel_loop3A_159 = arith.mulf %parallel_loop3A_158, %parallel_loop3A_148 : vector<16xf32>
          tpu.vector_store_idx %arg16[%broadcast_in_dim3A_134, %parallel_loop3A_149, %add3A_21], %parallel_loop3A_159 : memref<2x80x128xf32, #tpu.memory_space<vmem>>[vector<16xi32>, vector<16xi32>, vector<16xi32>], vector<16xf32>,
          %parallel_loop3A_160 = tpu.vector_load_idx %arg15[%broadcast_in_dim3A_134, %parallel_loop3A_149, %add3A_24] : memref<2x80x128xf32, #tpu.memory_space<vmem>>[vector<16xi32>, vector<16xi32>, vector<16xi32>], vector<16xf32>,
          %parallel_loop3A_161 = arith.mulf %parallel_loop3A_160, %parallel_loop3A_148 : vector<16xf32>
          tpu.vector_store_idx %arg16[%broadcast_in_dim3A_134, %parallel_loop3A_149, %add3A_24], %parallel_loop3A_161 : memref<2x80x128xf32, #tpu.memory_space<vmem>>[vector<16xi32>, vector<16xi32>, vector<16xi32>], vector<16xf32>,
          %parallel_loop3A_162 = tpu.vector_load_idx %arg15[%broadcast_in_dim3A_134, %parallel_loop3A_149, %add3A_27] : memref<2x80x128xf32, #tpu.memory_space<vmem>>[vector<16xi32>, vector<16xi32>, vector<16xi32>], vector<16xf32>,
          %parallel_loop3A_163 = arith.mulf %parallel_loop3A_162, %parallel_loop3A_148 : vector<16xf32>
          tpu.vector_store_idx %arg16[%broadcast_in_dim3A_134, %parallel_loop3A_149, %add3A_27], %parallel_loop3A_163 : memref<2x80x128xf32, #tpu.memory_space<vmem>>[vector<16xi32>, vector<16xi32>, vector<16xi32>], vector<16xf32>,
          %parallel_loop3A_164 = tpu.vector_load_idx %arg15[%broadcast_in_dim3A_134, %parallel_loop3A_149, %add3A_30] : memref<2x80x128xf32, #tpu.memory_space<vmem>>[vector<16xi32>, vector<16xi32>, vector<16xi32>], vector<16xf32>,
          %parallel_loop3A_165 = arith.mulf %parallel_loop3A_164, %parallel_loop3A_148 : vector<16xf32>
          tpu.vector_store_idx %arg16[%broadcast_in_dim3A_134, %parallel_loop3A_149, %add3A_30], %parallel_loop3A_165 : memref<2x80x128xf32, #tpu.memory_space<vmem>>[vector<16xi32>, vector<16xi32>, vector<16xi32>], vector<16xf32>,
        } {sc.loop_unroll_factor = 4 : i64, sc.parallel_access}
        "tpu.region"() ({
          %run_scoped3A = tpu.sem_alloc : memref<!tpu.dma_semaphore, #tpu.memory_space<semaphore_mem>>
          %dma_start3A_137 = arith.constant 0 : i32
          %dma_start3A_138 = arith.constant 0 : i32
          %dma_start3A_139 = tpu.memref_slice %arg16[%rem3A_114, %dma_start3A_137, %dma_start3A_138] : memref<2x80x128xf32, #tpu.memory_space<vmem>> -> memref<1x80x128xf32, #tpu.memory_space<vmem>>
          %dma_start3A_140 = tpu.memref_squeeze %dma_start3A_139 : memref<1x80x128xf32, #tpu.memory_space<vmem>> -> memref<80x128xf32, #tpu.memory_space<vmem>>
          %dma_start3A_141 = arith.constant 0 : i32
          %dma_start3A_142 = tpu.memref_slice %arg14[%rem3A_116, %dma_start3A_141] : memref<3x80xi32, #tpu.memory_space<vmem>> -> memref<1x80xi32, #tpu.memory_space<vmem>>
          %dma_start3A_143 = tpu.memref_squeeze %dma_start3A_142 : memref<1x80xi32, #tpu.memory_space<vmem>> -> memref<80xi32, #tpu.memory_space<vmem>>
          %dma_start3A_144 = arith.constant 0 : i32
          %dma_start3A_145 = arith.constant 0 : i32
          %dma_start3A_146 = tpu.memref_slice %arg17[%dma_start3A_144, %dma_start3A_145] : memref<10000x128xf32, #tpu.memory_space<vmem_shared>> -> memref<10000x128xf32, #tpu.memory_space<vmem_shared>>
          tpu.enqueue_indirect_dma source(%dma_start3A_140 : memref<80x128xf32, #tpu.memory_space<vmem>>) target(%dma_start3A_146 : memref<10000x128xf32, #tpu.memory_space<vmem_shared>>) offsets(%dma_start3A_143 : memref<80xi32, #tpu.memory_space<vmem>>) semaphore(%run_scoped3A : memref<!tpu.dma_semaphore, #tpu.memory_space<semaphore_mem>>) {add = true}
          %dma_wait3A_147 = arith.constant 0 : i32
          %dma_wait3A_148 = arith.constant 0 : i32
          %dma_wait3A_149 = tpu.memref_slice %arg16[%rem3A_114, %dma_wait3A_147, %dma_wait3A_148] : memref<2x80x128xf32, #tpu.memory_space<vmem>> -> memref<1x80x128xf32, #tpu.memory_space<vmem>>
          %dma_wait3A_150 = tpu.memref_squeeze %dma_wait3A_149 : memref<1x80x128xf32, #tpu.memory_space<vmem>> -> memref<80x128xf32, #tpu.memory_space<vmem>>
          %dma_wait3A_151 = arith.constant 0 : i32
          %dma_wait3A_152 = tpu.memref_slice %arg14[%rem3A_116, %dma_wait3A_151] : memref<3x80xi32, #tpu.memory_space<vmem>> -> memref<1x80xi32, #tpu.memory_space<vmem>>
          %dma_wait3A_153 = tpu.memref_squeeze %dma_wait3A_152 : memref<1x80xi32, #tpu.memory_space<vmem>> -> memref<80xi32, #tpu.memory_space<vmem>>
          %dma_wait3A_154 = arith.constant 0 : i32
          %dma_wait3A_155 = arith.constant 0 : i32
          %dma_wait3A_156 = tpu.memref_slice %arg17[%dma_wait3A_154, %dma_wait3A_155] : memref<10000x128xf32, #tpu.memory_space<vmem_shared>> -> memref<10000x128xf32, #tpu.memory_space<vmem_shared>>
          tpu.wait_indirect_dma semaphore(%run_scoped3A : memref<!tpu.dma_semaphore, #tpu.memory_space<semaphore_mem>>) src(%dma_wait3A_150 : memref<80x128xf32, #tpu.memory_space<vmem>>) dst(%dma_wait3A_156 : memref<10000x128xf32, #tpu.memory_space<vmem_shared>>)
          tpu.yield
        }) : () -> ()
      }
      %scan3A_112 = arith.constant 25 : i32
    }
    %scan3A_35 = arith.constant 5 : i32
    %barrier3A_36 = arith.constant 0 : index
    tpu.barrier barrier_id(%barrier3A_36)
    "tpu.region"() ({
      %run_scoped3A = tpu.sem_alloc : memref<!tpu.dma_semaphore, #tpu.memory_space<semaphore_mem>>
      %dma_start3A = arith.constant 0 : i32
      %dma_start3A_42 = tpu.memref_slice %arg8[%arg0, %mul3A_4, %dma_start3A] : memref<2x10000x128xf32, #tpu.memory_space<hbm>> -> memref<1x624x128xf32, #tpu.memory_space<hbm>>
      %dma_start3A_43 = tpu.memref_squeeze %dma_start3A_42 : memref<1x624x128xf32, #tpu.memory_space<hbm>> -> memref<624x128xf32, #tpu.memory_space<hbm>>
      %dma_start3A_44 = arith.constant 0 : i32
      %dma_start3A_45 = tpu.memref_slice %arg17[%mul3A_4, %dma_start3A_44] : memref<10000x128xf32, #tpu.memory_space<vmem_shared>> -> memref<624x128xf32, #tpu.memory_space<vmem_shared>>
      tpu.enqueue_dma source(%dma_start3A_45 : memref<624x128xf32, #tpu.memory_space<vmem_shared>>) target(%dma_start3A_43 : memref<624x128xf32, #tpu.memory_space<hbm>>) target_semaphore(%run_scoped3A : memref<!tpu.dma_semaphore, #tpu.memory_space<semaphore_mem>>)
      %dma_wait3A = arith.constant 0 : i32
      %dma_wait3A_46 = tpu.memref_slice %arg8[%arg0, %mul3A_4, %dma_wait3A] : memref<2x10000x128xf32, #tpu.memory_space<hbm>> -> memref<1x624x128xf32, #tpu.memory_space<hbm>>
      %dma_wait3A_47 = tpu.memref_squeeze %dma_wait3A_46 : memref<1x624x128xf32, #tpu.memory_space<hbm>> -> memref<624x128xf32, #tpu.memory_space<hbm>>
      %dma_wait3A_48 = arith.constant 0 : i32
      %dma_wait3A_49 = tpu.memref_slice %arg17[%mul3A_4, %dma_wait3A_48] : memref<10000x128xf32, #tpu.memory_space<vmem_shared>> -> memref<624x128xf32, #tpu.memory_space<vmem_shared>>
      tpu.wait_dma2 semaphore(%run_scoped3A : memref<!tpu.dma_semaphore, #tpu.memory_space<semaphore_mem>>) src(%dma_wait3A_49 : memref<624x128xf32, #tpu.memory_space<vmem_shared>>) dst(%dma_wait3A_47 : memref<624x128xf32, #tpu.memory_space<hbm>>)
      tpu.yield
    }) : () -> ()
    %eq3A_37 = arith.constant 15 : i32
    %eq3A_38 = arith.cmpi eq, %arg1, %eq3A_37 : i32
    %convert_element_type3A_39 = arith.extui %eq3A_38 : i1 to i32
    %cond3A_40 = arith.constant 0 : i32
    %cond3A_41 = arith.cmpi ne, %convert_element_type3A_39, %cond3A_40 : i32
    scf.if %cond3A_41 {
      "tpu.region"() ({
        %run_scoped3A = tpu.sem_alloc : memref<!tpu.dma_semaphore, #tpu.memory_space<semaphore_mem>>
        %dma_start3A = arith.constant 9984 : i32
        %dma_start3A_42 = arith.constant 0 : i32
        %dma_start3A_43 = tpu.memref_slice %arg8[%arg0, %dma_start3A, %dma_start3A_42] : memref<2x10000x128xf32, #tpu.memory_space<hbm>> -> memref<1x16x128xf32, #tpu.memory_space<hbm>>
        %dma_start3A_44 = tpu.memref_squeeze %dma_start3A_43 : memref<1x16x128xf32, #tpu.memory_space<hbm>> -> memref<16x128xf32, #tpu.memory_space<hbm>>
        %dma_start3A_45 = arith.constant 9984 : i32
        %dma_start3A_46 = arith.constant 0 : i32
        %dma_start3A_47 = tpu.memref_slice %arg17[%dma_start3A_45, %dma_start3A_46] : memref<10000x128xf32, #tpu.memory_space<vmem_shared>> -> memref<16x128xf32, #tpu.memory_space<vmem_shared>>
        tpu.enqueue_dma source(%dma_start3A_47 : memref<16x128xf32, #tpu.memory_space<vmem_shared>>) target(%dma_start3A_44 : memref<16x128xf32, #tpu.memory_space<hbm>>) target_semaphore(%run_scoped3A : memref<!tpu.dma_semaphore, #tpu.memory_space<semaphore_mem>>)
        %dma_wait3A = arith.constant 9984 : i32
        %dma_wait3A_48 = arith.constant 0 : i32
        %dma_wait3A_49 = tpu.memref_slice %arg8[%arg0, %dma_wait3A, %dma_wait3A_48] : memref<2x10000x128xf32, #tpu.memory_space<hbm>> -> memref<1x16x128xf32, #tpu.memory_space<hbm>>
        %dma_wait3A_50 = tpu.memref_squeeze %dma_wait3A_49 : memref<1x16x128xf32, #tpu.memory_space<hbm>> -> memref<16x128xf32, #tpu.memory_space<hbm>>
        %dma_wait3A_51 = arith.constant 9984 : i32
        %dma_wait3A_52 = arith.constant 0 : i32
        %dma_wait3A_53 = tpu.memref_slice %arg17[%dma_wait3A_51, %dma_wait3A_52] : memref<10000x128xf32, #tpu.memory_space<vmem_shared>> -> memref<16x128xf32, #tpu.memory_space<vmem_shared>>
        tpu.wait_dma2 semaphore(%run_scoped3A : memref<!tpu.dma_semaphore, #tpu.memory_space<semaphore_mem>>) src(%dma_wait3A_53 : memref<16x128xf32, #tpu.memory_space<vmem_shared>>) dst(%dma_wait3A_50 : memref<16x128xf32, #tpu.memory_space<hbm>>)
        tpu.yield
      }) : () -> ()
    } else {
    }
    return
  }
}

module attributes {stable_mosaic.version = 14 : i64} {
  func.func @_xw_body(%arg0: i32, %arg1: i32, %arg2: memref<32x8xf32, #tpu.memory_space<vmem>>, %arg3: memref<8x128x128xf32, #tpu.memory_space<vmem>>, %arg4: memref<128x128xf32, #tpu.memory_space<vmem>>, %arg5: memref<1x128xf32, #tpu.memory_space<vmem>>, %arg6: memref<2000x128xbf16, #tpu.memory_space<vmem>>, %arg7: memref<1x2000x128xf32, #tpu.memory_space<vmem>>, %arg8: memref<33x128x128xbf16, #tpu.memory_space<vmem>>) attributes {dimension_semantics = [#tpu.dimension_semantics<arbitrary>, #tpu.dimension_semantics<arbitrary>], iteration_bounds = array<i64: 5, 33>, scalar_prefetch = 0 : i64, scratch_operands = 1 : i64, tpu.core_type = #tpu.core_type<tc>, window_params = [{pipeline_mode = #tpu.pipeline_mode<synchronous>, transform_indices = @transform_0, window_bounds = array<i64: 32, 8>}, {pipeline_mode = #tpu.pipeline_mode<synchronous>, transform_indices = @transform_1, window_bounds = array<i64: 8, 128, 128>}, {pipeline_mode = #tpu.pipeline_mode<synchronous>, transform_indices = @transform_2, window_bounds = array<i64: 128, 128>}, {pipeline_mode = #tpu.pipeline_mode<synchronous>, transform_indices = @transform_3, window_bounds = array<i64: 1, 128>}, {transform_indices = @transform_4, window_bounds = array<i64: 2000, 128>}, {transform_indices = @transform_5, window_bounds = array<i64: 1, 2000, 128>}]} {
    %eq3A = arith.constant 0 : i32
    %eq3A_0 = arith.cmpi eq, %arg0, %eq3A : i32
    %convert_element_type3A = arith.extui %eq3A_0 : i1 to i32
    %cond3A = arith.constant 0 : i32
    %cond3A_1 = arith.cmpi ne, %convert_element_type3A, %cond3A : i32
    scf.if %cond3A_1 {
      %lt3A = arith.constant 32 : i32
      %lt3A_20 = arith.cmpi slt, %arg1, %lt3A : i32
      %convert_element_type3A_21 = arith.extui %lt3A_20 : i1 to i32
      %cond3A_22 = arith.constant 0 : i32
      %cond3A_23 = arith.cmpi ne, %convert_element_type3A_21, %cond3A_22 : i32
      scf.if %cond3A_23 {
        %min3A = arith.constant 31 : i32
        %min3A_29 = arith.minsi %arg1, %min3A : i32
        %get3A_30 = arith.index_cast %min3A_29 : i32 to index
        %get3A_31 = arith.constant 0 : index
        %get3A_32 = vector.load %arg2[%get3A_30, %get3A_31] : memref<32x8xf32, #tpu.memory_space<vmem>>, vector<1x1xf32>
        %get3A_33 = vector.extract %get3A_32[0, 0] : f32 from vector<1x1xf32>
        %get3A_34 = arith.constant 0 : index
        %get3A_35 = arith.constant 0 : index
        %get3A_36 = arith.constant 0 : index
        %get3A_37 = vector.load %arg3[%get3A_34, %get3A_35, %get3A_36] : memref<8x128x128xf32, #tpu.memory_space<vmem>>, vector<1x128x128xf32>
        %get3A_38 = vector.shape_cast %get3A_37 : vector<1x128x128xf32> to vector<128x128xf32>
        %mul3A = vector.broadcast %get3A_33 : f32 to vector<128x128xf32>
        %mul3A_39 = arith.mulf %mul3A, %get3A_38 : vector<128x128xf32>
        %get3A_40 = arith.index_cast %min3A_29 : i32 to index
        %get3A_41 = arith.constant 1 : index
        %get3A_42 = vector.load %arg2[%get3A_40, %get3A_41] : memref<32x8xf32, #tpu.memory_space<vmem>>, vector<1x1xf32>
        %get3A_43 = vector.extract %get3A_42[0, 0] : f32 from vector<1x1xf32>
        %get3A_44 = arith.constant 1 : index
        %get3A_45 = arith.constant 0 : index
        %get3A_46 = arith.constant 0 : index
        %get3A_47 = vector.load %arg3[%get3A_44, %get3A_45, %get3A_46] : memref<8x128x128xf32, #tpu.memory_space<vmem>>, vector<1x128x128xf32>
        %get3A_48 = vector.shape_cast %get3A_47 : vector<1x128x128xf32> to vector<128x128xf32>
        %mul3A_49 = vector.broadcast %get3A_43 : f32 to vector<128x128xf32>
        %mul3A_50 = arith.mulf %mul3A_49, %get3A_48 : vector<128x128xf32>
        %add3A = arith.addf %mul3A_39, %mul3A_50 : vector<128x128xf32>
        %get3A_51 = arith.index_cast %min3A_29 : i32 to index
        %get3A_52 = arith.constant 2 : index
        %get3A_53 = vector.load %arg2[%get3A_51, %get3A_52] : memref<32x8xf32, #tpu.memory_space<vmem>>, vector<1x1xf32>
        %get3A_54 = vector.extract %get3A_53[0, 0] : f32 from vector<1x1xf32>
        %get3A_55 = arith.constant 2 : index
        %get3A_56 = arith.constant 0 : index
        %get3A_57 = arith.constant 0 : index
        %get3A_58 = vector.load %arg3[%get3A_55, %get3A_56, %get3A_57] : memref<8x128x128xf32, #tpu.memory_space<vmem>>, vector<1x128x128xf32>
        %get3A_59 = vector.shape_cast %get3A_58 : vector<1x128x128xf32> to vector<128x128xf32>
        %mul3A_60 = vector.broadcast %get3A_54 : f32 to vector<128x128xf32>
        %mul3A_61 = arith.mulf %mul3A_60, %get3A_59 : vector<128x128xf32>
        %add3A_62 = arith.addf %add3A, %mul3A_61 : vector<128x128xf32>
        %get3A_63 = arith.index_cast %min3A_29 : i32 to index
        %get3A_64 = arith.constant 3 : index
        %get3A_65 = vector.load %arg2[%get3A_63, %get3A_64] : memref<32x8xf32, #tpu.memory_space<vmem>>, vector<1x1xf32>
        %get3A_66 = vector.extract %get3A_65[0, 0] : f32 from vector<1x1xf32>
        %get3A_67 = arith.constant 3 : index
        %get3A_68 = arith.constant 0 : index
        %get3A_69 = arith.constant 0 : index
        %get3A_70 = vector.load %arg3[%get3A_67, %get3A_68, %get3A_69] : memref<8x128x128xf32, #tpu.memory_space<vmem>>, vector<1x128x128xf32>
        %get3A_71 = vector.shape_cast %get3A_70 : vector<1x128x128xf32> to vector<128x128xf32>
        %mul3A_72 = vector.broadcast %get3A_66 : f32 to vector<128x128xf32>
        %mul3A_73 = arith.mulf %mul3A_72, %get3A_71 : vector<128x128xf32>
        %add3A_74 = arith.addf %add3A_62, %mul3A_73 : vector<128x128xf32>
        %get3A_75 = arith.index_cast %min3A_29 : i32 to index
        %get3A_76 = arith.constant 4 : index
        %get3A_77 = vector.load %arg2[%get3A_75, %get3A_76] : memref<32x8xf32, #tpu.memory_space<vmem>>, vector<1x1xf32>
        %get3A_78 = vector.extract %get3A_77[0, 0] : f32 from vector<1x1xf32>
        %get3A_79 = arith.constant 4 : index
        %get3A_80 = arith.constant 0 : index
        %get3A_81 = arith.constant 0 : index
        %get3A_82 = vector.load %arg3[%get3A_79, %get3A_80, %get3A_81] : memref<8x128x128xf32, #tpu.memory_space<vmem>>, vector<1x128x128xf32>
        %get3A_83 = vector.shape_cast %get3A_82 : vector<1x128x128xf32> to vector<128x128xf32>
        %mul3A_84 = vector.broadcast %get3A_78 : f32 to vector<128x128xf32>
        %mul3A_85 = arith.mulf %mul3A_84, %get3A_83 : vector<128x128xf32>
        %add3A_86 = arith.addf %add3A_74, %mul3A_85 : vector<128x128xf32>
        %get3A_87 = arith.index_cast %min3A_29 : i32 to index
        %get3A_88 = arith.constant 5 : index
        %get3A_89 = vector.load %arg2[%get3A_87, %get3A_88] : memref<32x8xf32, #tpu.memory_space<vmem>>, vector<1x1xf32>
        %get3A_90 = vector.extract %get3A_89[0, 0] : f32 from vector<1x1xf32>
        %get3A_91 = arith.constant 5 : index
        %get3A_92 = arith.constant 0 : index
        %get3A_93 = arith.constant 0 : index
        %get3A_94 = vector.load %arg3[%get3A_91, %get3A_92, %get3A_93] : memref<8x128x128xf32, #tpu.memory_space<vmem>>, vector<1x128x128xf32>
        %get3A_95 = vector.shape_cast %get3A_94 : vector<1x128x128xf32> to vector<128x128xf32>
        %mul3A_96 = vector.broadcast %get3A_90 : f32 to vector<128x128xf32>
        %mul3A_97 = arith.mulf %mul3A_96, %get3A_95 : vector<128x128xf32>
        %add3A_98 = arith.addf %add3A_86, %mul3A_97 : vector<128x128xf32>
        %get3A_99 = arith.index_cast %min3A_29 : i32 to index
        %get3A_100 = arith.constant 6 : index
        %get3A_101 = vector.load %arg2[%get3A_99, %get3A_100] : memref<32x8xf32, #tpu.memory_space<vmem>>, vector<1x1xf32>
        %get3A_102 = vector.extract %get3A_101[0, 0] : f32 from vector<1x1xf32>
        %get3A_103 = arith.constant 6 : index
        %get3A_104 = arith.constant 0 : index
        %get3A_105 = arith.constant 0 : index
        %get3A_106 = vector.load %arg3[%get3A_103, %get3A_104, %get3A_105] : memref<8x128x128xf32, #tpu.memory_space<vmem>>, vector<1x128x128xf32>
        %get3A_107 = vector.shape_cast %get3A_106 : vector<1x128x128xf32> to vector<128x128xf32>
        %mul3A_108 = vector.broadcast %get3A_102 : f32 to vector<128x128xf32>
        %mul3A_109 = arith.mulf %mul3A_108, %get3A_107 : vector<128x128xf32>
        %add3A_110 = arith.addf %add3A_98, %mul3A_109 : vector<128x128xf32>
        %get3A_111 = arith.index_cast %min3A_29 : i32 to index
        %get3A_112 = arith.constant 7 : index
        %get3A_113 = vector.load %arg2[%get3A_111, %get3A_112] : memref<32x8xf32, #tpu.memory_space<vmem>>, vector<1x1xf32>
        %get3A_114 = vector.extract %get3A_113[0, 0] : f32 from vector<1x1xf32>
        %get3A_115 = arith.constant 7 : index
        %get3A_116 = arith.constant 0 : index
        %get3A_117 = arith.constant 0 : index
        %get3A_118 = vector.load %arg3[%get3A_115, %get3A_116, %get3A_117] : memref<8x128x128xf32, #tpu.memory_space<vmem>>, vector<1x128x128xf32>
        %get3A_119 = vector.shape_cast %get3A_118 : vector<1x128x128xf32> to vector<128x128xf32>
        %mul3A_120 = vector.broadcast %get3A_114 : f32 to vector<128x128xf32>
        %mul3A_121 = arith.mulf %mul3A_120, %get3A_119 : vector<128x128xf32>
        %add3A_122 = arith.addf %add3A_110, %mul3A_121 : vector<128x128xf32>
        %convert_element_type3A_123 = arith.truncf %add3A_122 : vector<128x128xf32> to vector<128x128xbf16>
        %swap3A_124 = arith.index_cast %arg1 : i32 to index
        %swap3A_125 = arith.constant 0 : index
        %swap3A_126 = arith.constant 0 : index
        %swap3A_127 = vector.load %arg8[%swap3A_124, %swap3A_125, %swap3A_126] : memref<33x128x128xbf16, #tpu.memory_space<vmem>>, vector<1x128x128xbf16>
        %swap3A_128 = vector.shape_cast %swap3A_127 : vector<1x128x128xbf16> to vector<128x128xbf16>
        %swap3A_129 = vector.shape_cast %convert_element_type3A_123 : vector<128x128xbf16> to vector<1x128x128xbf16>
        tpu.vector_store %arg8[%swap3A_124, %swap3A_125, %swap3A_126], %swap3A_129 {strides = array<i32>} : memref<33x128x128xbf16, #tpu.memory_space<vmem>>, vector<1x128x128xbf16>,
      } else {
      }
      %eq3A_24 = arith.constant 32 : i32
      %eq3A_25 = arith.cmpi eq, %arg1, %eq3A_24 : i32
      %convert_element_type3A_26 = arith.extui %eq3A_25 : i1 to i32
      %cond3A_27 = arith.constant 0 : i32
      %cond3A_28 = arith.cmpi ne, %convert_element_type3A_26, %cond3A_27 : i32
      scf.if %cond3A_28 {
        %get3A_29 = arith.constant 0 : index
        %get3A_30 = arith.constant 0 : index
        %get3A_31 = vector.load %arg4[%get3A_29, %get3A_30] : memref<128x128xf32, #tpu.memory_space<vmem>>, vector<128x128xf32>
        %convert_element_type3A_32 = arith.truncf %get3A_31 : vector<128x128xf32> to vector<128x128xbf16>
        %swap3A_33 = arith.constant 32 : index
        %swap3A_34 = arith.constant 0 : index
        %swap3A_35 = arith.constant 0 : index
        %swap3A_36 = vector.load %arg8[%swap3A_33, %swap3A_34, %swap3A_35] : memref<33x128x128xbf16, #tpu.memory_space<vmem>>, vector<1x128x128xbf16>
        %swap3A_37 = vector.shape_cast %swap3A_36 : vector<1x128x128xbf16> to vector<128x128xbf16>
        %swap3A_38 = vector.shape_cast %convert_element_type3A_32 : vector<128x128xbf16> to vector<1x128x128xbf16>
        tpu.vector_store %arg8[%swap3A_33, %swap3A_34, %swap3A_35], %swap3A_38 {strides = array<i32>} : memref<33x128x128xbf16, #tpu.memory_space<vmem>>, vector<1x128x128xbf16>,
      } else {
      }
    } else {
    }
    %get3A = arith.constant 0 : index
    %get3A_2 = arith.constant 0 : index
    %get3A_3 = vector.load %arg6[%get3A, %get3A_2] : memref<2000x128xbf16, #tpu.memory_space<vmem>>, vector<2000x128xbf16>
    %get3A_4 = arith.index_cast %arg1 : i32 to index
    %get3A_5 = arith.constant 0 : index
    %get3A_6 = arith.constant 0 : index
    %get3A_7 = vector.load %arg8[%get3A_4, %get3A_5, %get3A_6] : memref<33x128x128xbf16, #tpu.memory_space<vmem>>, vector<1x128x128xbf16>
    %get3A_8 = vector.shape_cast %get3A_7 : vector<1x128x128xbf16> to vector<128x128xbf16>
    %dot_general3A = arith.constant dense<0.000000e+00> : vector<2000x128xf32>
    %dot_general3A_9 = tpu.matmul %get3A_3, %get3A_8, %dot_general3A {dimension_numbers = #tpu.dot_dimension_numbers<[1], [0], [0], [1], [0, 0, 1, 1], [], []>, transpose_lhs_hint = false} : vector<2000x128xbf16>, vector<128x128xbf16>, vector<2000x128xf32> -> vector<2000x128xf32>
    %swap3A = arith.constant 0 : index
    %swap3A_10 = arith.constant 0 : index
    %swap3A_11 = arith.constant 0 : index
    %swap3A_12 = vector.load %arg7[%swap3A, %swap3A_10, %swap3A_11] : memref<1x2000x128xf32, #tpu.memory_space<vmem>>, vector<1x2000x128xf32>
    %swap3A_13 = vector.shape_cast %swap3A_12 : vector<1x2000x128xf32> to vector<2000x128xf32>
    %swap3A_14 = vector.shape_cast %dot_general3A_9 : vector<2000x128xf32> to vector<1x2000x128xf32>
    tpu.vector_store %arg7[%swap3A, %swap3A_10, %swap3A_11], %swap3A_14 {strides = array<i32>} : memref<1x2000x128xf32, #tpu.memory_space<vmem>>, vector<1x2000x128xf32>,
    %eq3A_15 = arith.constant 32 : i32
    %eq3A_16 = arith.cmpi eq, %arg1, %eq3A_15 : i32
    %convert_element_type3A_17 = arith.extui %eq3A_16 : i1 to i32
    %cond3A_18 = arith.constant 0 : i32
    %cond3A_19 = arith.cmpi ne, %convert_element_type3A_17, %cond3A_18 : i32
    scf.if %cond3A_19 {
      %get3A_20 = arith.constant 0 : index
      %get3A_21 = arith.constant 0 : index
      %get3A_22 = vector.load %arg5[%get3A_20, %get3A_21] : memref<1x128xf32, #tpu.memory_space<vmem>>, vector<1x128xf32>
      %add3A = vector.broadcast %get3A_22 : vector<1x128xf32> to vector<2000x128xf32>
      %add3A_23 = arith.addf %dot_general3A_9, %add3A : vector<2000x128xf32>
      %swap3A_24 = arith.constant 0 : index
      %swap3A_25 = arith.constant 0 : index
      %swap3A_26 = arith.constant 0 : index
      %swap3A_27 = vector.load %arg7[%swap3A_24, %swap3A_25, %swap3A_26] : memref<1x2000x128xf32, #tpu.memory_space<vmem>>, vector<1x2000x128xf32>
      %swap3A_28 = vector.shape_cast %swap3A_27 : vector<1x2000x128xf32> to vector<2000x128xf32>
      %swap3A_29 = vector.shape_cast %add3A_23 : vector<2000x128xf32> to vector<1x2000x128xf32>
      tpu.vector_store %arg7[%swap3A_24, %swap3A_25, %swap3A_26], %swap3A_29 {strides = array<i32>} : memref<1x2000x128xf32, #tpu.memory_space<vmem>>, vector<1x2000x128xf32>,
    } else {
    }
    return
  }
  func.func @transform_0(%arg0: i32, %arg1: i32) -> (i32, i32) {
    %c0_i32 = arith.constant 0 : i32
    %c0_i32_0 = arith.constant 0 : i32
    %c0_i32_1 = arith.constant 0 : i32
    return %c0_i32, %c0_i32_0 : i32, i32
  }
  func.func @transform_1(%arg0: i32, %arg1: i32) -> (i32, i32, i32) {
    %c0_i32 = arith.constant 0 : i32
    %c0_i32_0 = arith.constant 0 : i32
    %c0_i32_1 = arith.constant 0 : i32
    %c0_i32_2 = arith.constant 0 : i32
    return %c0_i32, %c0_i32_0, %c0_i32_1 : i32, i32, i32
  }
  func.func @transform_2(%arg0: i32, %arg1: i32) -> (i32, i32) {
    %c0_i32 = arith.constant 0 : i32
    %c0_i32_0 = arith.constant 0 : i32
    %c0_i32_1 = arith.constant 0 : i32
    return %c0_i32, %c0_i32_0 : i32, i32
  }
  func.func @transform_3(%arg0: i32, %arg1: i32) -> (i32, i32) {
    %c0_i32 = arith.constant 0 : i32
    %c0_i32_0 = arith.constant 0 : i32
    %c0_i32_1 = arith.constant 0 : i32
    return %c0_i32, %c0_i32_0 : i32, i32
  }
  func.func @transform_4(%arg0: i32, %arg1: i32) -> (i32, i32) {
    %c0_i32 = arith.constant 0 : i32
    %c0_i32_0 = arith.constant 0 : i32
    return %arg0, %c0_i32 : i32, i32
  }
  func.func @transform_5(%arg0: i32, %arg1: i32) -> (i32, i32, i32) {
    %c0_i32 = arith.constant 0 : i32
    %c0_i32_0 = arith.constant 0 : i32
    return %arg1, %arg0, %c0_i32 : i32, i32, i32
  }
}

module attributes {stable_mosaic.version = 14 : i64} {
  func.func @_combine_body(%arg0: i32, %arg1: memref<2000x128xf32, #tpu.memory_space<vmem>>, %arg2: memref<2000x128xf32, #tpu.memory_space<vmem>>, %arg3: memref<2000x128xf32, #tpu.memory_space<vmem>>, %arg4: memref<2000x128xf32, #tpu.memory_space<vmem>>) attributes {dimension_semantics = [#tpu.dimension_semantics<arbitrary>], iteration_bounds = array<i64: 5>, scalar_prefetch = 0 : i64, scratch_operands = 0 : i64, tpu.core_type = #tpu.core_type<tc>, window_params = [{transform_indices = @transform_0, window_bounds = array<i64: 2000, 128>}, {transform_indices = @transform_1, window_bounds = array<i64: 2000, 128>}, {transform_indices = @transform_2, window_bounds = array<i64: 2000, 128>}, {transform_indices = @transform_3, window_bounds = array<i64: 2000, 128>}]} {
    %get3A = arith.constant 0 : index
    %get3A_0 = arith.constant 0 : index
    %get3A_1 = vector.load %arg1[%get3A, %get3A_0] : memref<2000x128xf32, #tpu.memory_space<vmem>>, vector<2000x128xf32>
    %get3A_2 = arith.constant 0 : index
    %get3A_3 = arith.constant 0 : index
    %get3A_4 = vector.load %arg2[%get3A_2, %get3A_3] : memref<2000x128xf32, #tpu.memory_space<vmem>>, vector<2000x128xf32>
    %add3A = arith.addf %get3A_1, %get3A_4 : vector<2000x128xf32>
    %get3A_5 = arith.constant 0 : index
    %get3A_6 = arith.constant 0 : index
    %get3A_7 = vector.load %arg3[%get3A_5, %get3A_6] : memref<2000x128xf32, #tpu.memory_space<vmem>>, vector<2000x128xf32>
    %add3A_8 = arith.addf %add3A, %get3A_7 : vector<2000x128xf32>
    %swap3A = arith.constant 0 : index
    %swap3A_9 = arith.constant 0 : index
    %swap3A_10 = vector.load %arg4[%swap3A, %swap3A_9] : memref<2000x128xf32, #tpu.memory_space<vmem>>, vector<2000x128xf32>
    tpu.vector_store %arg4[%swap3A, %swap3A_9], %add3A_8 {strides = array<i32>} : memref<2000x128xf32, #tpu.memory_space<vmem>>, vector<2000x128xf32>,
    return
  }
  func.func @transform_0(%arg0: i32) -> (i32, i32) {
    %c0_i32 = arith.constant 0 : i32
    %c0_i32_0 = arith.constant 0 : i32
    return %arg0, %c0_i32 : i32, i32
  }
  func.func @transform_1(%arg0: i32) -> (i32, i32) {
    %c0_i32 = arith.constant 0 : i32
    %c0_i32_0 = arith.constant 0 : i32
    return %arg0, %c0_i32 : i32, i32
  }
  func.func @transform_2(%arg0: i32) -> (i32, i32) {
    %c0_i32 = arith.constant 0 : i32
    %c0_i32_0 = arith.constant 0 : i32
    return %arg0, %c0_i32 : i32, i32
  }
  func.func @transform_3(%arg0: i32) -> (i32, i32) {
    %c0_i32 = arith.constant 0 : i32
    %c0_i32_0 = arith.constant 0 : i32
    return %arg0, %c0_i32 : i32, i32
  }
}

</mosaic_0001>

<sc_bundles>
// kernel: kernel.5.cloned.1.call-start
scs
__scs_entry_jumppad:
0x0: {  	(pc) =	sbr.rel $0x88, $3  }
0x1: {  	(tag) =	ssettag $0x0;
	lr =	simm.s32 $0x1  }
0x2: {  	[smem:$0x3F99] =	sst lr;
	_ =	strace $0xD0000000  }
0x3: {  	_ = 	snop  }
0x4: {  	_ = 	snop  }
0x5: {  	_ = 	snop  }
0x6: {  	_ = 	snop  }
0x7: {  	_ = 	snop  }
__scs_overlays_trampoline_lowered:
0x8: {  	[smem:$0x3FA8] =	sst s0  }
0x9: {  	[smem:$0x3FA9] =	sst s1  }
0xa: {  	[smem:$0x3FAA] =	sst s2  }
0xb: {  	[smem:$0x3FAB] =	sst s3  }
0xc: {  	[smem:$0x3FAC] =	sst s4  }
0xd: {  	[smem:$0x3FAD] =	sst s5  }
0xe: {  	[smem:$0x3FAE] =	sst s6  }
0xf: {  	[smem:$0x3FAF] =	sst s7  }
0x10: {  	[smem:$0x3FB0] =	sst s8  }
0x11: {  	[smem:$0x3FB1] =	sst s9;
	s0 =	simm.s32 @!p0 $0x0  }
0x12: {  	s1 =	sld [smem:$0x3F97];
	s0 =	simm.s32 @p0 $0x1  }
0x13: {  	[smem:$0x3FB2] =	sst s0;
	s0 =	simm.s32 @!p1 $0x0  }
0x14: {  	s2 =	sld [smem:$0x3F96];
	s0 =	simm.s32 @p1 $0x1  }
0x15: {  	[smem:$0x3FB3] =	sst s0;
	s0 =	simm.s32 @!p2 $0x0  }
0x16: {  	s3 =	sld [smem:$0x3FDB];
	s0 =	simm.s32 @p2 $0x1  }
0x17: {  	s4 =	simm.s32 $0x1BF5;
	[smem:$0x3FB5] =	sst s0  }
0x18: {  	s0 =	sld [smem:$0x3F98];
	_ =	swait.ge [sflag:s4], $0x0  }
0x19: {  	s7 =	sld [smem:$0x3F99]  }
0x1a: {  	s8 =	sadd.s32 $0xFFFFE003, lr  }
0x1b: {  	s9 =	sadd.s32 $0xFFFFFEF7, lr;
	s5 =	simm.s32 $0xFFFFFFFF;
	p2 =	slt.u32 s8, $0xFFFFF086  }
0x1c: {  	p1 =	slt.u32 s9, $0xF7A;
	s5 =	simm.s32 @!p2 $0x0  }
0x1d: {  	s5 =	simm.s32 @p1 $0x1;
	p0 =	seq.s32 s7, s2  }
0x1e: {  	s7 =	smul.u32 @!p0 $0xF7A, s2;
	p2 =	seq.s32 @!p0 s5, $0x0  }
0x1f: {  	s9 =	smul.u32 $0xF7A, s1;
	s8 =	simm.s32 @!p0 $0x1BF5;
	p2 =	por !p2, p0  }
0x20: {  	[sflag:s8] =	ssyncset.s32 @!p0 $0xFFFFF086;
	s6 =	sadd.s32 @!p0 s3, s7;
	s7 =	simm.s32 @!p0 $0x108  }
0x21: {  	s3 =	sadd.s32 s3, s9;
	s6 =	sadd.s32 @!p0 $0x88, s6;
	s7 =	simm.s32 @p2 $0x1082  }
0x22: {  	[simem:s7], [sflag:s8] =	dma.local @!p0 [hbm:s6], $0xF7A  }
0x23: {  	s9 =	sor.u32 $0xD0000000, s2;
	s6 =	simm.s32 $0x108;
	_ =	swait.ge @!p0 [sflag:s8], $0x0  }
0x24: {  	s3 =	sadd.s32 $0x88, s3;
	s6 =	simm.s32 @!p1 $0x1082;
	[sflag:s4] =	ssyncset.s32 $0xFFFFF086  }
0x25: {  	[simem:s6], [sflag:s4] =	dma.local [hbm:s3], $0xF7A  }
0x26: {  	[smem:$0x3F99] =	sst s1;
	(tag) =	ssettag s2;
	_ =	strace s9  }
0x27: {  	s1 =	sld [smem:$0x3FA9]  }
0x28: {  	s2 =	sld [smem:$0x3FAA]  }
0x29: {  	s4 =	sld [smem:$0x3FAC]  }
0x2a: {  	p0 =	seq.s32 s5, $0x0;
	s5 =	sld [smem:$0x3FAD]  }
0x2b: {  	s6 =	sld [smem:$0x3FAE]  }
0x2c: {  	s7 =	sld [smem:$0x3FAF]  }
0x2d: {  	s3 =	simm.s32 $0x108;
	s8 =	sld [smem:$0x3FB0]  }
0x2e: {  	s3 =	simm.s32 @!p0 $0x1082;
	s9 =	sld [smem:$0x3FB1]  }
0x2f: {  	lr =	sadd.s32 s0, s3;
	s0 =	sld [smem:$0x3FA8]  }
0x30: {  	s3 =	sld [smem:$0x3FAB]  }
0x31: {  	[smem:$0x3FB4] =	sst s10  }
0x32: {  	s10 =	sld [smem:$0x3FB2];
	_ =	sdelay $0x3  }
0x33: {  	p0 =	seq.s32 s10, $0x1;
	s10 =	sld [smem:$0x3FB4];
	_ =	sdelay $0x3  }
0x34: {  	[smem:$0x3FB4] =	sst s10  }
0x35: {  	s10 =	sld [smem:$0x3FB3];
	_ =	sdelay $0x3  }
0x36: {  	p1 =	seq.s32 s10, $0x1;
	s10 =	sld [smem:$0x3FB4];
	_ =	sdelay $0x3  }
0x37: {  	[smem:$0x3FB4] =	sst s10  }
0x38: {  	s10 =	sld [smem:$0x3FB5]  }
0x39: {  	_ = 	snop;
	(pc) =	sbr.ind lr, $3  }
0x3a: {  	_ = 	snop  }
0x3b: {  	_ = 	snop  }
0x3c: {  	p2 =	seq.s32 s10, $0x1;
	s10 =	sld [smem:$0x3FB4]  }
0x3d: {  	_ =	shalt  }
0x3e: {  	_ =	shalt  }
0x3f: {  	_ =	shalt  }
0x40: {  	_ =	shalt  }
0x41: {  	_ =	shalt  }
0x42: {  	_ =	shalt  }
0x43: {  	_ =	shalt  }
0x44: {  	_ =	shalt  }
0x45: {  	_ =	shalt  }
0x46: {  	_ =	shalt  }
0x47: {  	_ =	shalt  }
0x48: {  	_ =	shalt  }
0x49: {  	_ =	shalt  }
0x4a: {  	_ =	shalt  }
0x4b: {  	_ =	shalt  }
0x4c: {  	_ =	shalt  }
0x4d: {  	_ =	shalt  }
0x4e: {  	_ =	shalt  }
0x4f: {  	_ =	shalt  }
0x50: {  	_ =	shalt  }
0x51: {  	_ =	shalt  }
0x52: {  	_ =	shalt  }
0x53: {  	_ =	shalt  }
0x54: {  	_ =	shalt  }
0x55: {  	_ =	shalt  }
0x56: {  	_ =	shalt  }
0x57: {  	_ =	shalt  }
0x58: {  	_ =	shalt  }
0x59: {  	_ =	shalt  }
0x5a: {  	_ =	shalt  }
0x5b: {  	_ =	shalt  }
0x5c: {  	_ =	shalt  }
0x5d: {  	_ =	shalt  }
0x5e: {  	_ =	shalt  }
0x5f: {  	_ =	shalt  }
0x60: {  	_ =	shalt  }
0x61: {  	_ =	shalt  }
0x62: {  	_ =	shalt  }
0x63: {  	_ =	shalt  }
0x64: {  	_ =	shalt  }
0x65: {  	_ =	shalt  }
0x66: {  	_ =	shalt  }
0x67: {  	_ =	shalt  }
0x68: {  	_ =	shalt  }
0x69: {  	_ =	shalt  }
0x6a: {  	_ =	shalt  }
0x6b: {  	_ =	shalt  }
0x6c: {  	_ =	shalt  }
0x6d: {  	_ =	shalt  }
0x6e: {  	_ =	shalt  }
0x6f: {  	_ =	shalt  }
0x70: {  	_ =	shalt  }
0x71: {  	_ =	shalt  }
0x72: {  	_ =	shalt  }
0x73: {  	_ =	shalt  }
0x74: {  	_ =	shalt  }
0x75: {  	_ =	shalt  }
0x76: {  	_ =	shalt  }
0x77: {  	_ =	shalt  }
0x78: {  	_ =	shalt  }
0x79: {  	_ =	shalt  }
0x7a: {  	_ =	shalt  }
0x7b: {  	_ =	shalt  }
0x7c: {  	_ =	shalt  }
0x7d: {  	_ =	shalt  }
0x7e: {  	_ =	shalt  }
0x7f: {  	_ =	shalt  }
0x80: {  	_ =	shalt  }
0x81: {  	_ =	shalt  }
0x82: {  	_ =	shalt  }
0x83: {  	_ =	shalt  }
0x84: {  	_ =	shalt  }
0x85: {  	_ =	shalt  }
0x86: {  	_ =	shalt  }
0x87: {  	_ =	shalt  }
.Lfunc_end0:
.L_simem_size_0:
called_computation_lowered:
.L_overlay_start_0:
0x88: {  	s2 =	sld [smem:$0x3FD9]  }
0x89: {  	s3 =	sld [smem:$0x3FFE];
	_ =	sdelay $0x1  }
0x8a: {  	s1 =	srdreg.scid  }
0x8b: {  	s0 =	sand.u32 $0x1, s1  }
0x8c: {  	s17 =	sshll.u32 s0, $0xA;
	s2 =	sadd.s32 s3, s2  }
0x8d: {  	s2 =	sadd.s32 s2, s17  }
0x8e: {  	[smem:$0x3FC0] =	sst s2  }
0x8f: {  	_ = 	snop  }
0x90: {  	s2 =	sld [smem:$0x3FC7]  }
0x91: {  	s18 =	sld [smem:$0x3FC6]  }
0x92: {  	s4 =	sld [smem:$0x3FD0];
	(tm) =	ssettm $0x1  }
0x93: {  	s5 =	sld [smem:$0x3FFB];
	_ =	sdelay $0x3  }
0x94: {  	_ =	strace s5  }
0x95: {  	s5 =	sld [smem:$0x3FFC];
	_ =	sdelay $0x3  }
0x96: {  	_ =	strace s5  }
0x97: {  	s5 =	sld [smem:$0x3FFD];
	_ =	sdelay $0x3  }
0x98: {  	_ =	strace s5  }
0x99: {  	_ =	strace $0x8FFFFFFF  }
0x9a: {  	s19 =	sld [smem:$0x3FDB];
	_ =	sdelay $0x1  }
0x9b: {  	s6 =	simm.s32 $_scs_section_size  }
0x9c: {  	s7 =	simm.s32 $_size__tile_overlayer_lowered;
	s8 =	simm.s32 $_tile_overlayer_lowered  }
0x9d: {  	s22 =	simm.s32 $0x1BFF;
	s21 =	sshll.u32 s8, $0x1;
	s5 =	sadd.s32 s6, s19  }
0x9e: {  	s9 =	simm.s32 $0x0;
	s20 =	sshll.u32 s7, $0x1;
	s7 =	sadd.s32 s21, s5  }
0x9f: {  	[timem:s9], [sflag:s22] =	dma.local [hbm:s7], s20  }
0xa0: {  	_ =	swait.ge [sflag:s22], s20  }
0xa1: {  	s6 =	ssub.s32 $0x0, s20;
	[sflag:s22] =	ssyncset.done $0x0  }
0xa2: {  	[sflag:s22] =	ssyncadd.s32 s6;
	_ =	sdelay $0x1  }
0xa3: {  	s23 =	simm.s32 $0x1B8B  }
0xa4: {  	_ =	swait.ge [sflag:s23], $0x1  }
0xa5: {  	[sflag:s23] =	ssyncset.done $0x0  }
0xa6: {  	s25 =	simm.s32 $0x1B8E;
	s24 =	sld [smem:$0x3FFE];
	[sflag:s23] =	ssyncadd.s32 $0xFFFFFFFF  }
0xa7: {  	s26 =	simm.s32 $execute0_lowered;
	[smem:$0x3FD2] =	sst s25  }
0xa8: {  	s7 =	sshll.u32 s26, $0x1;
	_ =	strace $0x80000046;
	[dreg:$0x1] =	wrdreg $0xFFFFFFFF  }
0xa9: {  	s28 =	simm.s32 $_size_execute0_lowered;
	s5 =	sadd.s32 s5, s7;
	[dreg:$0x0] =	wrdreg $0x0  }
0xaa: {  	s7 =	sshll.u32 s28, $0x1;
	[dreg:$0x2] =	wrdreg s5  }
0xab: {  	[dreg:$0x3] =	wrdreg s7  }
0xac: {  	[dreg:$0x4] =	wrdreg $0xC0  }
0xad: {  	_ =	task [dreg:s9], $0x5FFFF  }
0xae: {  	[dreg:$0x1] =	wrdreg $0xFFFFFFFF  }
0xaf: {  	[dreg:$0x0] =	wrdreg $0x60  }
0xb0: {  	[dreg:$0x2] =	wrdreg s24  }
0xb1: {  	[dreg:$0x3] =	wrdreg s2  }
0xb2: {  	[dreg:$0x4] =	wrdreg s4  }
0xb3: {  	[dreg:$0x5] =	wrdreg s18  }
0xb4: {  	[dreg:$0x6] =	wrdreg $0xC4000  }
0xb5: {  	[dreg:$0x7] =	wrdreg $0x9  }
0xb6: {  	_ =	task.clear_ibuf [dreg:s9], $0x8FFFF;
	_ =	strace $0x90000046  }
0xb7: {  	s29 =	simm.s32 $0x9;
	_ =	strace $0x80000048  }
0xb8: {  	_ =	swait.ge [sflag:s29], $0x1  }
0xb9: {  	[sflag:s29] =	ssyncadd.s32 $0xFFFFFFFF  }
0xba: {  	_ =	strace $0x90000048  }
0xbb: {  	_ =	sfence  }
0xbc: {  	s30 =	sld [smem:$0x0];
	_ =	sdelay $0x2  }
0xbd: {  	s31 =	sshll.u32 s1, $0xD;
	s1 =	sshrl.u32 s1, $0x2  }
0xbe: {  	s3 =	sand.u32 $0x4000, s31;
	s1 =	sadd.s32 s1, s30  }
0xbf: {  	s0 =	sor.u32 s3, s0;
	s1 =	sshll.u32 s1, $0x11  }
0xc0: {  	s0 =	sor.u32 s1, s0  }
0xc1: {  	s0 =	sadd.s32 $0x8F2B, s0  }
0xc2: {  	[sflag:s0] =	ssyncadd.remote.s32 $0x1  }
0xc3: {  	_ =	sfence.sel $0xFFFF  }
0xc4: {  	[dreg:$0x0] =	wrdreg $0xFFFFFFFF;
	(pc) =	sbr.abs _section_cstart, $3  }
0xc5: {  	[dreg:$0x1] =	wrdreg $0xFFFFFFFF  }
0xc6: {  	_ =	task.clear_ibuf [dreg:s9], $0x2FFFF;
	_ =	strace $0x9FFFFFFF  }
0xc7: {  	(tm) =	ssettm $0x7FFFFFFF  }
tec
execute0_lowered:
.L_overlay_start_1:
0x0: {  	(tag) =	ssettag $0x1  }
0x1: {  	s0 =	rddreg [dreg:$0x0]  }
0x2: {  	s1 =	rddreg [dreg:$0x1]  }
0x3: {  	s2 =	rddreg [dreg:$0x2]  }
0x4: {  	s3 =	rddreg [dreg:$0x3]  }
0x5: {  	s4 =	rddreg [dreg:$0x4]  }
0x6: {  	s5 =	simm.s32 $0x0;
	s25 =	srdreg.scid;
	s9 =	stileid.u32  }
0x7: {  	s16 =	simm.s32 $0x2;
	s18 =	simm.s32 $0x800;
	s19 =	simm.s32 $0x1000  }
0x8: {  	s20 =	simm.s32 $0x1800;
	s21 =	simm.s32 $0x2000;
	s22 =	simm.s32 $0x2200  }
0x9: {  	s23 =	simm.s32 $0x50;
	s24 =	simm.s32 $0x2400;
	s29 =	simm.s32 $0x0  }
0xa: {  	[smem:$0x7FF] =	sst s5;
	s7 =	sadd.s32 $0xA400, s0;
	s6 =	sadd.s32 $0x513600, s0  }
0xb: {  	s8 =	sadd.s32 $0x600, s0;
	s0 =	sadd.s32 $0x515E00, s0;
	s11 =	smul.u32 $0x4E000, s9  }
0xc: {  	s12 =	sshll.u32 s9, $0x1;
	s26 =	smul.u32 $0x13800, s9;
	s30 =	sshll.u32 s9, $0x6  }
0xd: {  	_ =	strace $0x80000047;
	[dreg:$0x6] =	wrdreg s6;
	s6 =	sand.u32 $0x1, s25  }
0xe: {  	p0 =	sne.s32 s9, $0xF;
	s10 =	ssub.s32 $0x2, s6;
	s13 =	smul.u32 $0x138800, s6  }
0xf: {  	s6 =	sor.u32 s6, s12;
	s28 =	sshrl.u32 s11, $0x2;
	s14 =	sshrl.u32 s10, $0x1  }
0x10: {  	s14 =	ssub.s32 s10, s14;
	s10 =	smul.u32 $0x2710, s6;
	s6 =	sadd.s32 s28, s4  }
0x11: {  	s12 =	sadd.s32 s26, s13;
	s13 =	sshrl.u32 s13, $0x3;
	s31 =	smax.u32 s14, $0x1  }
0x12: {  	s12 =	sshrl.u32 s12, $0x3;
	s9 =	sshrl.u32 s6, $0x3;
	[dreg:$0x9] =	wrdreg s31  }
0x13: {  	v0 =	vlaneseq.u32;
	s12 =	sadd.s32 s0, s12;
	s0 =	sadd.s32 s0, s13;
	[dreg:$0xa] =	wrdreg s9  }
0x14: {  	s17 =	sadd.s32 $0x138000, s4;
	v1 =	vor.u32 $0x10, v0;
	[dreg:$0x7] =	wrdreg s12;
	s0 =	sadd.s32 $0x27000, s0  }
0x15: {  	v2 =	vor.u32 $0x20, v0;
	v3 =	vor.u32 $0x30, v0;
	v4 =	vor.u32 $0x40, v0;
	s25 =	simm.s32 $0x1;
	s12 =	sshrl.u32 @!p0 s17, $0x3;
	[dreg:$0x8] =	wrdreg s0  }
0x16: {  	v5 =	vor.u32 $0x50, v0;
	v6 =	vor.u32 $0x60, v0;
	v7 =	vor.u32 $0x70, v0;
	s11 =	sor.u32 $0x1C02, s30;
	s26 =	simm.s32 $0x7400;
	[dreg:$0xb] =	wrdreg s12  }
.LBB2_1:
0x17: {  	s0 =	rddreg [dreg:$0x6]  }
0x18: {  	[spmem:s9], [sflag:s11] =	dma.local [hbm:s0], $0x2700  }
0x19: {  	_ =	swait.ge [sflag:s16], $0x2700  }
0x1a: {  	[sflag:s16] =	ssyncset.done $0x0  }
0x1b: {  	[sflag:s16] =	ssyncadd.s32 $0xFFFFD900  }
0x1c: {  	[spmem:s12], [sflag:s11] =	dma.local @!p0 [hbm:s0], $0x100  }
0x1d: {  	s0 =	simm.s32 @!p0 $0x2  }
0x1e: {  	_ =	swait.ge @!p0 [sflag:s0], $0x100  }
0x1f: {  	[sflag:s0] =	ssyncset.done @!p0 $0x0  }
0x20: {  	[sflag:s0] =	ssyncadd.s32 @!p0 $0xFFFFFF00  }
0x21: {  	s28 =	simm.s32 $0x0;
	[bflag:$0x0] =	sbarrier.arrive $0xFFFF  }
.LBB2_2:
0x22: {  	s0 =	smul.u32 $0x7D0, s28;
	_ =	sdelay $0x1  }
0x23: {  	s0 =	sadd.s32 s10, s0  }
0x24: {  	s0 =	sshrl.u32 s0, $0x3  }
0x25: {  	s6 =	sadd.s32 s8, s0  }
0x26: {  	[tilespmem:s29], [sflag:$0x2] =	stream.linear.gather [hbm4b:s6+s29], $0x7D0, $0x38;
	[tilespmem:$0x1FC80] =	vst v63  }
0x27: {  	_ =	swait.ge [sflag:s16], $0x7D0  }
0x28: {  	[sflag:s16] =	ssyncset.done $0x0  }
0x29: {  	s17 =	sadd.s32 s1, s0;
	[sflag:s16] =	ssyncadd.s32 $0xFFFFF830  }
0x2a: {  	[tilespmem:s18], [sflag:$0x2] =	stream.linear.gather [hbm4b:s17+s29], $0x7D0, $0x38;
	[tilespmem:$0x1FC80] =	vst v63  }
0x2b: {  	_ =	swait.ge [sflag:s16], $0x7D0  }
0x2c: {  	[sflag:s16] =	ssyncset.done $0x0  }
0x2d: {  	s31 =	sadd.s32 s2, s0;
	[sflag:s16] =	ssyncadd.s32 $0xFFFFF830  }
0x2e: {  	[tilespmem:s19], [sflag:$0x2] =	stream.linear.gather [hbm4b:s31+s29], $0x7D0, $0x38;
	[tilespmem:$0x1FC80] =	vst v63  }
0x2f: {  	_ =	swait.ge [sflag:s16], $0x7D0  }
0x30: {  	[sflag:s16] =	ssyncset.done $0x0  }
0x31: {  	s0 =	sadd.s32 s3, s0;
	[sflag:s16] =	ssyncadd.s32 $0xFFFFF830  }
0x32: {  	[tilespmem:s20], [sflag:$0x2] =	stream.linear.gather [hbm4b:s0+s29], $0x7D0, $0x38;
	[tilespmem:$0x1FC80] =	vst v63  }
0x33: {  	_ =	swait.ge [sflag:s16], $0x7D0  }
0x34: {  	[sflag:s16] =	ssyncset.done $0x0  }
0x35: {  	[sflag:s16] =	ssyncadd.s32 $0xFFFFF830  }
0x36: {  	v8 =	vld [tilespmem:$0x800];
	_ =	sdelay $0x1  }
0x37: {  	v9 =	vld [tilespmem:$0x0];
	_ =	sdelay $0x1  }
0x38: {  	v10 =	vld [tilespmem:$0x1000]  }
0x39: {  	v8 =	vmul.u32 $0x2710, v8;
	_ =	sdelay $0x1  }
0x3a: {  	v8 =	vadd.s32 v9, v8  }
0x3b: {  	[tilespmem:v0+s21+$0x0] =	vst.idx.msk $0xffff, v8  }
0x3c: {  	[tilespmem:v0+s22+$0x0] =	vst.idx.msk $0xffff, v10  }
0x3d: {  	v8 =	vld [tilespmem:$0x810];
	_ =	sdelay $0x1  }
0x3e: {  	v60 =	vld [tilespmem:$0x10];
	_ =	sdelay $0x1  }
0x3f: {  	v10 =	vld [tilespmem:$0x1010]  }
0x40: {  	v8 =	vmul.u32 $0x2710, v8;
	_ =	sdelay $0x1  }
0x41: {  	v8 =	vadd.s32 v60, v8  }
0x42: {  	[tilespmem:v1+s21+$0x0] =	vst.idx.msk $0xffff, v8  }
0x43: {  	[tilespmem:v1+s22+$0x0] =	vst.idx.msk $0xffff, v10  }
0x44: {  	v8 =	vld [tilespmem:$0x820];
	_ =	sdelay $0x1  }
0x45: {  	v61 =	vld [tilespmem:$0x20];
	_ =	sdelay $0x1  }
0x46: {  	v10 =	vld [tilespmem:$0x1020]  }
0x47: {  	v8 =	vmul.u32 $0x2710, v8;
	_ =	sdelay $0x1  }
0x48: {  	v8 =	vadd.s32 v61, v8  }
0x49: {  	[tilespmem:v2+s21+$0x0] =	vst.idx.msk $0xffff, v8  }
0x4a: {  	[tilespmem:v2+s22+$0x0] =	vst.idx.msk $0xffff, v10  }
0x4b: {  	v8 =	vld [tilespmem:$0x830];
	_ =	sdelay $0x1  }
0x4c: {  	v62 =	vld [tilespmem:$0x30];
	_ =	sdelay $0x1  }
0x4d: {  	v10 =	vld [tilespmem:$0x1030]  }
0x4e: {  	v8 =	vmul.u32 $0x2710, v8;
	_ =	sdelay $0x1  }
0x4f: {  	v8 =	vadd.s32 v62, v8  }
0x50: {  	[tilespmem:v3+s21+$0x0] =	vst.idx.msk $0xffff, v8  }
0x51: {  	[tilespmem:v3+s22+$0x0] =	vst.idx.msk $0xffff, v10  }
0x52: {  	v8 =	vld [tilespmem:$0x840];
	_ =	sdelay $0x1  }
0x53: {  	v63 =	vld [tilespmem:$0x40];
	_ =	sdelay $0x1  }
0x54: {  	v10 =	vld [tilespmem:$0x1040]  }
0x55: {  	v8 =	vmul.u32 $0x2710, v8;
	_ =	sdelay $0x1  }
0x56: {  	v8 =	vadd.s32 v63, v8  }
0x57: {  	[tilespmem:v4+s21+$0x0] =	vst.idx.msk $0xffff, v8  }
0x58: {  	s30 =	simm.s32 $0x0;
	[tilespmem:v4+s22+$0x0] =	vst.idx.msk $0xffff, v10  }
0x59: {  	[tilespmem:s24], [sflag:$0x1] =	stream.indirect.gather [hbm4b:s7+s23], $0x80, s21, s23, $0xb8;
	[tilespmem:$0x1FC80] =	vst v63  }
.LBB2_3:
0x5a: {  	s0 =	smov.u32 s30  }
0x5b: {  	s30 =	sadd.s32 $0x1, s30;
	p1 =	seq.s32 s0, $0x18  }
0x5c: {  	s6 =	smul.u32 @!p1 $0xAB, s30;
	_ =	sdelay $0x1  }
0x5d: {  	s6 =	sshrl.u32 @!p1 s6, $0x9  }
0x5e: {  	_ =	swait.ge [sflag:s25], $0x2800;
	s12 =	smul.u32 @!p1 $0x50, s30;
	s6 =	sand.u32 @!p1 $0x7F, s6  }
0x5f: {  	[sflag:s25] =	ssyncset.done $0x0;
	s6 =	smul.u32 @!p1 $0x3, s6  }
0x60: {  	[sflag:s25] =	ssyncadd.s32 $0xFFFFD800  }
0x61: {  	v8 =	vld @!p1 [tilespmem:s12+$0x800];
	s6 =	ssub.s32 @!p1 s30, s6  }
0x62: {  	s6 =	sand.u32 @!p1 $0xFF, s6  }
0x63: {  	v10 =	vlaneseq.u32 @!p1;
	v9 =	vld @!p1 [tilespmem:s12+$0x0];
	s6 =	sshll.u32 @!p1 s6, $0x7  }
0x64: {  	v11 =	vor.u32 @!p1 s6, v10  }
0x65: {  	v12 =	vld @!p1 [tilespmem:s12+$0x1000]  }
0x66: {  	v8 =	vmul.u32 @!p1 $0x2710, v8;
	_ =	sdelay $0x1  }
0x67: {  	s13 =	simm.s32 @!p1 $0x2000;
	v8 =	vadd.s32 @!p1 v9, v8  }
0x68: {  	s14 =	simm.s32 @!p1 $0x2200;
	[tilespmem:v11+s13+$0x0] =	vst.idx.msk @!p1 $0xffff, v8  }
0x69: {  	[tilespmem:v11+s14+$0x0] =	vst.idx.msk @!p1 $0xffff, v12  }
0x6a: {  	v8 =	vld @!p1 [tilespmem:s12+$0x810];
	_ =	sdelay $0x1  }
0x6b: {  	v11 =	vor.u32 @!p1 $0x10, v10;
	v9 =	vld @!p1 [tilespmem:s12+$0x10]  }
0x6c: {  	v11 =	vor.u32 @!p1 s6, v11  }
0x6d: {  	v12 =	vld @!p1 [tilespmem:s12+$0x1010]  }
0x6e: {  	v8 =	vmul.u32 @!p1 $0x2710, v8;
	_ =	sdelay $0x1  }
0x6f: {  	v8 =	vadd.s32 @!p1 v9, v8  }
0x70: {  	[tilespmem:v11+s13+$0x0] =	vst.idx.msk @!p1 $0xffff, v8  }
0x71: {  	[tilespmem:v11+s14+$0x0] =	vst.idx.msk @!p1 $0xffff, v12  }
0x72: {  	v8 =	vld @!p1 [tilespmem:s12+$0x820];
	_ =	sdelay $0x1  }
0x73: {  	v11 =	vor.u32 @!p1 $0x20, v10;
	v9 =	vld @!p1 [tilespmem:s12+$0x20]  }
0x74: {  	v11 =	vor.u32 @!p1 s6, v11  }
0x75: {  	v12 =	vld @!p1 [tilespmem:s12+$0x1020]  }
0x76: {  	v8 =	vmul.u32 @!p1 $0x2710, v8;
	_ =	sdelay $0x1  }
0x77: {  	v8 =	vadd.s32 @!p1 v9, v8  }
0x78: {  	[tilespmem:v11+s13+$0x0] =	vst.idx.msk @!p1 $0xffff, v8  }
0x79: {  	[tilespmem:v11+s14+$0x0] =	vst.idx.msk @!p1 $0xffff, v12  }
0x7a: {  	v8 =	vld @!p1 [tilespmem:s12+$0x830];
	_ =	sdelay $0x1  }
0x7b: {  	v11 =	vor.u32 @!p1 $0x30, v10;
	v9 =	vld @!p1 [tilespmem:s12+$0x30]  }
0x7c: {  	v11 =	vor.u32 @!p1 s6, v11  }
0x7d: {  	v12 =	vld @!p1 [tilespmem:s12+$0x1030]  }
0x7e: {  	v8 =	vmul.u32 @!p1 $0x2710, v8;
	_ =	sdelay $0x1  }
0x7f: {  	v8 =	vadd.s32 @!p1 v9, v8  }
0x80: {  	[tilespmem:v11+s13+$0x0] =	vst.idx.msk @!p1 $0xffff, v8  }
0x81: {  	[tilespmem:v11+s14+$0x0] =	vst.idx.msk @!p1 $0xffff, v12  }
0x82: {  	v8 =	vld @!p1 [tilespmem:s12+$0x840];
	_ =	sdelay $0x1  }
0x83: {  	v10 =	vor.u32 @!p1 $0x40, v10;
	v9 =	vld @!p1 [tilespmem:s12+$0x40]  }
0x84: {  	s31 =	sand.u32 $0x1, s0;
	v10 =	vor.u32 @!p1 s6, v10  }
0x85: {  	s15 =	smul.u32 $0x140, s0;
	v11 =	vmov s31;
	v13 =	vld @!p1 [tilespmem:s12+$0x1040]  }
0x86: {  	v11 =	vmul.u32 $0x2800, v11;
	v8 =	vmul.u32 @!p1 $0x2710, v8  }
0x87: {  	s9 =	sand.u32 @!p1 $0x1, s30;
	s12 =	sshra.s32 s15, $0x2;
	s15 =	simm.s32 $0x180  }
0x88: {  	p2 =	seq.s32 @!p1 s9, $0x1;
	s17 =	sadd.s32 $0x1800, s12;
	s12 =	simm.s32 $0x80;
	v8 =	vadd.s32 @!p1 v9, v8;
	v9 =	vadd.s32 s15, v11  }
0x89: {  	p2 =	por !p2, p1;
	v12 =	vmov s17;
	s17 =	simm.s32 $0x100;
	[tilespmem:v10+s13+$0x0] =	vst.idx.msk @!p1 $0xffff, v8;
	s13 =	simm.s32 @!p1 $0x4C00;
	v8 =	vadd.s32 s12, v11;
	v25 =	vbroadcast v9, $0x0  }
0x8a: {  	s6 =	sor.u32 @!p1 $0x2000, s6;
	s12 =	simm.s32 @!p1 $0x50;
	v9 =	vadd.s32 s17, v11;
	[tilespmem:v10+s14+$0x0] =	vst.idx.msk @!p1 $0xffff, v13;
	s13 =	simm.s32 @p2 $0x2400;
	v28 =	vbroadcast v8, $0x0  }
0x8b: {  	v24 =	vbroadcast v9, $0x0;
	[tilespmem:s13], [sflag:$0x1] =	stream.indirect.gather @!p1 [hbm4b:s7+s12], $0x80, s6, s12, $0xb8;
	v9 =	vor.u32 v0, v25;
	[tilespmem:$0x1FC80] =	vst v63  }
0x8c: {  	s12 =	simm.s32 $0x0;
	v13 =	vor.u32 v0, v28  }
0x8d: {  	s13 =	sand.u32 $0x70, s29;
	v8 =	vadd.s32 s12, v11;
	v15 =	vor.u32 v0, v24  }
0x8e: {  	v16 =	vld.idx.msk [tilespmem:v12+s13+$0x0 ss:$0x1], $0xffff;
	v30 =	vbroadcast v8, $0x0;
	_ =	sdelay $0x1  }
0x8f: {  	s14 =	sand.u32 $0xF, s29;
	v17 =	vor.u32 v0, v30;
	v18 =	vld.idx.msk [tilespmem:v9+s24+$0x0], $0xffff  }
0x90: {  	s15 =	sadd.s32 $0x3, s14;
	v19 =	vld.idx.msk [tilespmem:v13+s24+$0x0], $0xffff  }
0x91: {  	s17 =	sadd.s32 $0x1, s14;
	v8 =	vmov s15;
	v20 =	vld.idx.msk [tilespmem:v15+s24+$0x0], $0xffff  }
0x92: {  	s6 =	sadd.s32 $0x2, s14;
	v21 =	vor.u32 v1, v25;
	v10 =	vmov s17;
	v14 =	vperm.xlane v16, v8  }
0x93: {  	v22 =	vmov s6;
	v23 =	vor.u32 v1, v28;
	v8 =	vperm.xlane v16, v10  }
0x94: {  	v10 =	vperm.xlane v16, v22;
	v22 =	vor.u32 v1, v24;
	v26 =	vld.idx.msk [tilespmem:v17+s24+$0x0], $0xffff;
	v18 =	vmul.f32 v18, v14  }
0x95: {  	s9 =	sand.u32 $0xC, s29;
	v19 =	vmul.f32 v19, v8  }
0x96: {  	v27 =	vmov s9;
	v20 =	vmul.f32 v20, v10;
	[tilespmem:v9+s26+$0x0] =	vst.idx.msk $0xffff, v18  }
0x97: {  	v18 =	vor.u32 v1, v30;
	v9 =	vperm.xlane v16, v27;
	v16 =	vld.idx.msk [tilespmem:v21+s24+$0x0], $0xffff;
	[tilespmem:v13+s26+$0x0] =	vst.idx.msk $0xffff, v19  }
0x98: {  	[tilespmem:v15+s26+$0x0] =	vst.idx.msk $0xffff, v20;
	v13 =	vld.idx.msk [tilespmem:v23+s24+$0x0], $0xffff  }
0x99: {  	v15 =	vld.idx.msk [tilespmem:v22+s24+$0x0], $0xffff;
	v19 =	vmul.f32 v26, v9  }
0x9a: {  	v20 =	vor.u32 v2, v25  }
0x9b: {  	[tilespmem:v17+s26+$0x0] =	vst.idx.msk $0xffff, v19;
	v17 =	vor.u32 v2, v28  }
0x9c: {  	v19 =	vor.u32 v2, v24;
	v26 =	vld.idx.msk [tilespmem:v18+s24+$0x0], $0xffff;
	v16 =	vmul.f32 v16, v14  }
0x9d: {  	v13 =	vmul.f32 v13, v8  }
0x9e: {  	v15 =	vmul.f32 v15, v10;
	[tilespmem:v21+s26+$0x0] =	vst.idx.msk $0xffff, v16  }
0x9f: {  	v21 =	vor.u32 v2, v30;
	v16 =	vld.idx.msk [tilespmem:v20+s24+$0x0], $0xffff;
	[tilespmem:v23+s26+$0x0] =	vst.idx.msk $0xffff, v13  }
0xa0: {  	[tilespmem:v22+s26+$0x0] =	vst.idx.msk $0xffff, v15;
	v13 =	vld.idx.msk [tilespmem:v17+s24+$0x0], $0xffff  }
0xa1: {  	v15 =	vld.idx.msk [tilespmem:v19+s24+$0x0], $0xffff;
	v22 =	vmul.f32 v26, v9  }
0xa2: {  	v23 =	vor.u32 v3, v25  }
0xa3: {  	[tilespmem:v18+s26+$0x0] =	vst.idx.msk $0xffff, v22  }
0xa4: {  	s12 =	simm.s32 $0x300;
	v26 =	vor.u32 v3, v28;
	v18 =	vld.idx.msk [tilespmem:v21+s24+$0x0], $0xffff;
	v16 =	vmul.f32 v16, v14  }
0xa5: {  	s13 =	simm.s32 $0x380;
	v27 =	vadd.s32 s12, v11;
	v22 =	vor.u32 v3, v24;
	v13 =	vmul.f32 v13, v8  }
0xa6: {  	v31 =	vadd.s32 s13, v11;
	v29 =	vmul.f32 v15, v10;
	v15 =	vbroadcast v27, $0x0;
	[tilespmem:v20+s26+$0x0] =	vst.idx.msk $0xffff, v16  }
0xa7: {  	s14 =	simm.s32 $0x280;
	v27 =	vor.u32 v3, v30;
	v16 =	vbroadcast v31, $0x0;
	v20 =	vld.idx.msk [tilespmem:v23+s24+$0x0], $0xffff;
	[tilespmem:v17+s26+$0x0] =	vst.idx.msk $0xffff, v13  }
0xa8: {  	[tilespmem:v19+s26+$0x0] =	vst.idx.msk $0xffff, v29;
	v13 =	vadd.s32 s14, v11;
	v29 =	vor.u32 v0, v15  }
0xa9: {  	s6 =	simm.s32 $0x4;
	v19 =	vld.idx.msk [tilespmem:v26+s24+$0x0], $0xffff;
	v17 =	vmul.f32 v18, v9;
	v18 =	vbroadcast v13, $0x0;
	v31 =	vor.u32 v0, v16  }
0xaa: {  	v32 =	vor.u32 v4, v25;
	v63 =	vor.u32 v5, v25;
	s17 =	simm.s32 $0x200;
	v36 =	vor.u32 v4, v28;
	s15 =	sand.u32 $0x70, s6;
	v13 =	vld.idx.msk [tilespmem:v22+s24+$0x0], $0xffff  }
0xab: {  	v33 =	vadd.s32 s17, v11;
	v34 =	vld.idx.msk [tilespmem:v12+s15+$0x0 ss:$0x1], $0xffff;
	[tilespmem:v21+s26+$0x0] =	vst.idx.msk $0xffff, v17;
	v35 =	vor.u32 v0, v18  }
0xac: {  	v37 =	vor.u32 v5, v24;
	v17 =	vbroadcast v33, $0x0;
	v62 =	vld.idx.msk [tilespmem:v27+s24+$0x0], $0xffff;
	v20 =	vmul.f32 v20, v14  }
0xad: {  	v40 =	vor.u32 v4, v24;
	v49 =	vor.u32 v5, v28;
	s13 =	sand.u32 $0xF, s6;
	v43 =	vor.u32 v4, v30;
	v38 =	vld.idx.msk [tilespmem:v29+s24+$0x0], $0xffff  }
0xae: {  	s15 =	sadd.s32 $0x2, s13;
	v21 =	vmul.f32 v19, v8;
	v41 =	vld.idx.msk [tilespmem:v31+s24+$0x0], $0xffff;
	[tilespmem:v23+s26+$0x0] =	vst.idx.msk $0xffff, v20;
	v23 =	vor.u32 v0, v17  }
0xaf: {  	s9 =	sadd.s32 $0x3, s13;
	v44 =	vor.u32 v1, v15;
	v20 =	vmul.f32 v13, v10;
	v13 =	vmov s15;
	v42 =	vld.idx.msk [tilespmem:v32+s24+$0x0], $0xffff  }
0xb0: {  	v46 =	vor.u32 v1, v16;
	[tilespmem:v26+s26+$0x0] =	vst.idx.msk $0xffff, v21;
	v21 =	vmov s9;
	v26 =	vld.idx.msk [tilespmem:v35+s24+$0x0], $0xffff;
	v13 =	vperm.xlane v34, v13  }
0xb1: {  	s14 =	sadd.s32 $0x1, s13;
	[tilespmem:v22+s26+$0x0] =	vst.idx.msk $0xffff, v20;
	v45 =	vld.idx.msk [tilespmem:v36+s24+$0x0], $0xffff;
	v21 =	vperm.xlane v34, v21;
	v22 =	vmul.f32 v62, v9  }
0xb2: {  	v39 =	vmov s14;
	v48 =	vor.u32 v1, v18;
	v47 =	vld.idx.msk [tilespmem:v40+s24+$0x0], $0xffff;
	v38 =	vmul.f32 v38, v13  }
0xb3: {  	v20 =	vperm.xlane v34, v39;
	v41 =	vmul.f32 v41, v21;
	[tilespmem:v27+s26+$0x0] =	vst.idx.msk $0xffff, v22;
	v54 =	vld.idx.msk [tilespmem:v23+s24+$0x0], $0xffff  }
0xb4: {  	s6 =	sand.u32 $0xC, s6;
	v33 =	vor.u32 v6, v30;
	[tilespmem:v29+s26+$0x0] =	vst.idx.msk $0xffff, v38;
	v27 =	vld.idx.msk [tilespmem:v43+s24+$0x0], $0xffff;
	v29 =	vmul.f32 v42, v14  }
0xb5: {  	v55 =	vor.u32 v1, v17;
	v22 =	vmov s6;
	v26 =	vmul.f32 v26, v20;
	v56 =	vld.idx.msk [tilespmem:v44+s24+$0x0], $0xffff;
	[tilespmem:v31+s26+$0x0] =	vst.idx.msk $0xffff, v41  }
0xb6: {  	v22 =	vperm.xlane v34, v22;
	v31 =	vld.idx.msk [tilespmem:v46+s24+$0x0], $0xffff;
	v57 =	vmul.f32 v45, v8;
	[tilespmem:v32+s26+$0x0] =	vst.idx.msk $0xffff, v29  }
0xb7: {  	[tilespmem:v35+s26+$0x0] =	vst.idx.msk $0xffff, v26;
	v26 =	vmul.f32 v47, v10;
	v35 =	vor.u32 v5, v30;
	v29 =	vld.idx.msk [tilespmem:v63+s24+$0x0], $0xffff  }
0xb8: {  	v39 =	vor.u32 v2, v15;
	v59 =	vld.idx.msk [tilespmem:v48+s24+$0x0], $0xffff;
	[tilespmem:v36+s26+$0x0] =	vst.idx.msk $0xffff, v57;
	v58 =	vmul.f32 v54, v22  }
0xb9: {  	v41 =	vor.u32 v2, v16;
	v34 =	vld.idx.msk [tilespmem:v49+s24+$0x0], $0xffff;
	[tilespmem:v40+s26+$0x0] =	vst.idx.msk $0xffff, v26;
	v26 =	vmul.f32 v27, v9  }
0xba: {  	v27 =	vor.u32 v6, v25;
	v60 =	vld.idx.msk [tilespmem:v37+s24+$0x0], $0xffff;
	[tilespmem:v23+s26+$0x0] =	vst.idx.msk $0xffff, v58;
	v23 =	vmul.f32 v56, v13  }
0xbb: {  	v40 =	vor.u32 v2, v18;
	v31 =	vmul.f32 v31, v21;
	[tilespmem:v43+s26+$0x0] =	vst.idx.msk $0xffff, v26;
	v61 =	vld.idx.msk [tilespmem:v55+s24+$0x0], $0xffff  }
0xbc: {  	s17 =	smul.u32 $0xAB, s0;
	v26 =	vor.u32 v6, v28;
	v50 =	vld.idx.msk [tilespmem:v35+s24+$0x0], $0xffff;
	[tilespmem:v44+s26+$0x0] =	vst.idx.msk $0xffff, v23;
	v23 =	vmul.f32 v29, v14  }
0xbd: {  	v62 =	vmul.f32 v59, v20;
	[tilespmem:v46+s26+$0x0] =	vst.idx.msk $0xffff, v31;
	v29 =	vor.u32 v6, v24;
	v51 =	vld.idx.msk [tilespmem:v39+s24+$0x0], $0xffff  }
0xbe: {  	s6 =	sshrl.u32 s17, $0x9;
	v42 =	vor.u32 v2, v17;
	v36 =	vld.idx.msk [tilespmem:v41+s24+$0x0], $0xffff;
	v31 =	vmul.f32 v34, v8;
	[tilespmem:v63+s26+$0x0] =	vst.idx.msk $0xffff, v23  }
0xbf: {  	v19 =	vor.u32 v3, v18;
	s6 =	sand.u32 $0x7F, s6;
	[tilespmem:v48+s26+$0x0] =	vst.idx.msk $0xffff, v62;
	v32 =	vmul.f32 v60, v10;
	v45 =	vld.idx.msk [tilespmem:v27+s24+$0x0], $0xffff  }
0xc0: {  	s6 =	smul.u32 $0x3, s6;
	v25 =	vor.u32 v7, v25;
	v47 =	vld.idx.msk [tilespmem:v40+s24+$0x0], $0xffff;
	[tilespmem:v49+s26+$0x0] =	vst.idx.msk $0xffff, v31;
	v63 =	vmul.f32 v61, v22  }
0xc1: {  	v24 =	vor.u32 v7, v24;
	v23 =	vor.u32 v7, v30;
	v43 =	vld.idx.msk [tilespmem:v26+s24+$0x0], $0xffff;
	[tilespmem:v37+s26+$0x0] =	vst.idx.msk $0xffff, v32  }
0xc2: {  	s0 =	ssub.s32 s0, s6;
	v30 =	vor.u32 v7, v28;
	v28 =	vmul.f32 v50, v9;
	v44 =	vld.idx.msk [tilespmem:v29+s24+$0x0], $0xffff;
	[tilespmem:v55+s26+$0x0] =	vst.idx.msk $0xffff, v63  }
0xc3: {  	s6 =	simm.s32 $0x8;
	s0 =	sand.u32 $0xFF, s0;
	v46 =	vor.u32 v3, v16;
	v37 =	vor.u32 v3, v17;
	v49 =	vmul.f32 v51, v13;
	v48 =	vld.idx.msk [tilespmem:v42+s24+$0x0], $0xffff  }
.LBB2_4:
0xc4: {  	s9 =	sand.u32 $0x70, s6;
	v50 =	vor.u32 v3, v15;
	v38 =	vmul.f32 v36, v21;
	[tilespmem:v35+s26+$0x0] =	vst.idx.msk $0xffff, v28;
	v28 =	vmov v16  }
0xc5: {  	s14 =	sshll.u32 s6, $0x7;
	v34 =	vmovc v15;
	v32 =	vmovc v17;
	v31 =	vmov v18;
	v36 =	vmov v21;
	v21 =	vmov v8;
	s12 =	smov.u32 s6;
	s13 =	sadd.s32 $0x4, s6  }
0xc6: {  	v15 =	vmul.f32 v45, v14;
	v8 =	vmov v20;
	v17 =	vadd.s32 s14, v11;
	s15 =	sadd.s32 $0x80, s14;
	s17 =	sadd.s32 $0x100, s14;
	s14 =	sadd.s32 $0x180, s14;
	[tilespmem:v39+s26+$0x0] =	vst.idx.msk $0xffff, v49;
	v35 =	vld.idx.msk [tilespmem:v33+s24+$0x0], $0xffff  }
0xc7: {  	p1 =	slt.u32 s6, $0x4C;
	v20 =	vmul.f32 v47, v8;
	v39 =	vld.idx.msk [tilespmem:v12+s9+$0x0 ss:$0x1], $0xffff;
	v18 =	vadd.s32 s15, v11;
	v16 =	vadd.s32 s14, v11;
	[tilespmem:v41+s26+$0x0] =	vst.idx.msk $0xffff, v38  }
0xc8: {  	v38 =	vadd.s32 s17, v11;
	v43 =	vmul.f32 v43, v21;
	v16 =	vbroadcast v16, $0x0;
	v41 =	vld.idx.msk [tilespmem:v46+s24+$0x0], $0xffff;
	[tilespmem:v27+s26+$0x0] =	vst.idx.msk $0xffff, v15  }
0xc9: {  	s6 =	sand.u32 $0xF, s12;
	v15 =	vbroadcast v38, $0x0;
	[tilespmem:v40+s26+$0x0] =	vst.idx.msk $0xffff, v20;
	v20 =	vmul.f32 v44, v10;
	v27 =	vld.idx.msk [tilespmem:v25+s24+$0x0], $0xffff;
	v40 =	vmov v9  }
0xca: {  	v17 =	vbroadcast v17, $0x0;
	s9 =	sadd.s32 $0x1, s6;
	s14 =	sadd.s32 $0x2, s6;
	s6 =	sadd.s32 $0x3, s6;
	v44 =	vmul.f32 v48, v22;
	v9 =	vmov v22;
	v45 =	vld.idx.msk [tilespmem:v19+s24+$0x0], $0xffff;
	[tilespmem:v26+s26+$0x0] =	vst.idx.msk $0xffff, v43  }
0xcb: {  	v22 =	vmov s9;
	v26 =	vor.u32 v0, v15;
	v43 =	vmov s6;
	v38 =	vmovc v30;
	v47 =	vld.idx.msk [tilespmem:v30+s24+$0x0], $0xffff;
	[tilespmem:v29+s26+$0x0] =	vst.idx.msk $0xffff, v20;
	v29 =	vmovc v23  }
0xcc: {  	v18 =	vbroadcast v18, $0x0;
	v30 =	vor.u32 v0, v16;
	v35 =	vmul.f32 v35, v40;
	v20 =	vld.idx.msk [tilespmem:v50+s24+$0x0], $0xffff  }
0xcd: {  	[tilespmem:v42+s26+$0x0] =	vst.idx.msk $0xffff, v44;
	v44 =	vor.u32 v5, v34;
	v42 =	vor.u32 v4, v28;
	v48 =	vld.idx.msk [tilespmem:v24+s24+$0x0], $0xffff  }
0xce: {  	v49 =	vor.u32 v0, v18;
	v41 =	vmul.f32 v41, v36;
	v51 =	vld.idx.msk [tilespmem:v37+s24+$0x0], $0xffff;
	[tilespmem:v33+s26+$0x0] =	vst.idx.msk $0xffff, v35  }
0xcf: {  	v52 =	vor.u32 v4, v31;
	v33 =	vor.u32 v3, v18;
	v14 =	vmul.f32 v27, v14;
	v23 =	vld.idx.msk [tilespmem:v23+s24+$0x0], $0xffff  }
0xd0: {  	v53 =	vor.u32 v4, v34;
	v27 =	vld.idx.msk [tilespmem:v26+s24+$0x0], $0xffff;
	[tilespmem:v46+s26+$0x0] =	vst.idx.msk $0xffff, v41;
	v46 =	vor.u32 v5, v28  }
0xd1: {  	v45 =	vmul.f32 v45, v8;
	v41 =	vor.u32 v0, v17;
	v54 =	vmul.f32 v47, v21;
	v35 =	vld.idx.msk [tilespmem:v30+s24+$0x0], $0xffff  }
0xd2: {  	v55 =	vor.u32 v5, v31;
	v20 =	vmul.f32 v20, v13;
	v47 =	vld.idx.msk [tilespmem:v42+s24+$0x0], $0xffff;
	[tilespmem:v25+s26+$0x0] =	vst.idx.msk $0xffff, v14  }
0xd3: {  	v21 =	vmov s14;
	v25 =	vor.u32 v4, v32;
	v10 =	vmul.f32 v48, v10;
	v14 =	vld.idx.msk [tilespmem:v49+s24+$0x0], $0xffff;
	[tilespmem:v19+s26+$0x0] =	vst.idx.msk $0xffff, v45  }
0xd4: {  	v48 =	vor.u32 v1, v15;
	v45 =	vperm.xlane v39, v21;
	v56 =	vld.idx.msk [tilespmem:v52+s24+$0x0], $0xffff;
	[tilespmem:v50+s26+$0x0] =	vst.idx.msk $0xffff, v20  }
0xd5: {  	v21 =	vperm.xlane v39, v43;
	v43 =	vor.u32 v1, v16;
	v57 =	vmul.f32 v51, v9;
	v50 =	vld.idx.msk [tilespmem:v53+s24+$0x0], $0xffff  }
0xd6: {  	v20 =	vperm.xlane v39, v22;
	v22 =	vmul.f32 v27, v45;
	v51 =	vld.idx.msk [tilespmem:v41+s24+$0x0], $0xffff;
	[tilespmem:v24+s26+$0x0] =	vst.idx.msk $0xffff, v10  }
0xd7: {  	v19 =	vmov v33;
	v24 =	vor.u32 v1, v18;
	v10 =	vmul.f32 v35, v21;
	[tilespmem:v37+s26+$0x0] =	vst.idx.msk $0xffff, v57  }
0xd8: {  	s6 =	sand.u32 $0xC, s12;
	v33 =	vmul.f32 v23, v40;
	v27 =	vmul.f32 v47, v36;
	[tilespmem:v26+s26+$0x0] =	vst.idx.msk $0xffff, v22;
	v26 =	vld.idx.msk [tilespmem:v25+s24+$0x0], $0xffff  }
0xd9: {  	v37 =	vor.u32 v1, v17;
	v22 =	vmov s6;
	v14 =	vmul.f32 v14, v20;
	v40 =	vld.idx.msk [tilespmem:v48+s24+$0x0], $0xffff;
	[tilespmem:v30+s26+$0x0] =	vst.idx.msk $0xffff, v10  }
0xda: {  	v22 =	vperm.xlane v39, v22;
	v23 =	vmul.f32 v56, v8;
	v30 =	vld.idx.msk [tilespmem:v43+s24+$0x0], $0xffff;
	[tilespmem:v42+s26+$0x0] =	vst.idx.msk $0xffff, v27  }
0xdb: {  	v10 =	vmov v13;
	[tilespmem:v49+s26+$0x0] =	vst.idx.msk $0xffff, v14;
	v14 =	vmul.f32 v50, v13;
	v42 =	vld.idx.msk [tilespmem:v46+s24+$0x0], $0xffff;
	v13 =	vmov v45  }
0xdc: {  	v35 =	vor.u32 v5, v32;
	v27 =	vmul.f32 v51, v22;
	v45 =	vld.idx.msk [tilespmem:v24+s24+$0x0], $0xffff;
	[tilespmem:v52+s26+$0x0] =	vst.idx.msk $0xffff, v23  }
0xdd: {  	v39 =	vor.u32 v2, v15;
	v23 =	vor.u32 v7, v32;
	v47 =	vld.idx.msk [tilespmem:v55+s24+$0x0], $0xffff;
	[tilespmem:v53+s26+$0x0] =	vst.idx.msk $0xffff, v14  }
0xde: {  	v51 =	vmul.f32 v26, v9;
	[tilespmem:v41+s26+$0x0] =	vst.idx.msk $0xffff, v27;
	v41 =	vor.u32 v2, v16;
	v49 =	vld.idx.msk [tilespmem:v44+s24+$0x0], $0xffff  }
0xdf: {  	v26 =	vmul.f32 v40, v13;
	v27 =	vor.u32 v6, v28;
	v50 =	vld.idx.msk [tilespmem:v37+s24+$0x0], $0xffff;
	[tilespmem:v29+s26+$0x0] =	vst.idx.msk $0xffff, v33  }
0xe0: {  	v40 =	vor.u32 v2, v18;
	v29 =	vmul.f32 v30, v21;
	v14 =	vmov v36;
	[tilespmem:v25+s26+$0x0] =	vst.idx.msk $0xffff, v51  }
0xe1: {  	v25 =	vmul.f32 v42, v14;
	[tilespmem:v48+s26+$0x0] =	vst.idx.msk $0xffff, v26;
	v48 =	vld.idx.msk [tilespmem:v35+s24+$0x0], $0xffff;
	v26 =	vor.u32 v6, v31  }
0xe2: {  	v30 =	vmul.f32 v45, v20;
	v51 =	vld.idx.msk [tilespmem:v39+s24+$0x0], $0xffff;
	[tilespmem:v43+s26+$0x0] =	vst.idx.msk $0xffff, v29;
	v29 =	vor.u32 v6, v34  }
0xe3: {  	v42 =	vor.u32 v2, v17;
	v43 =	vmul.f32 v47, v8;
	v36 =	vld.idx.msk [tilespmem:v41+s24+$0x0], $0xffff;
	[tilespmem:v46+s26+$0x0] =	vst.idx.msk $0xffff, v25  }
.Ltmp0:
0xe4: {  	v25 =	vmul.f32 v49, v10;
	[tilespmem:v24+s26+$0x0] =	vst.idx.msk $0xffff, v30;
	v24 =	vor.u32 v7, v34;
	v45 =	vld.idx.msk [tilespmem:v27+s24+$0x0], $0xffff;
	(pc) =	sbr.rel @p1 .LBB2_4-.Ltmp0, $4  }
0xe5: {  	v33 =	vor.u32 v6, v32;
	v34 =	vmul.f32 v50, v22;
	v47 =	vld.idx.msk [tilespmem:v40+s24+$0x0], $0xffff;
	[tilespmem:v55+s26+$0x0] =	vst.idx.msk $0xffff, v43  }
0xe6: {  	v30 =	vor.u32 v7, v31;
	v43 =	vld.idx.msk [tilespmem:v26+s24+$0x0], $0xffff;
	[tilespmem:v44+s26+$0x0] =	vst.idx.msk $0xffff, v25;
	v25 =	vor.u32 v7, v28  }
0xe7: {  	v46 =	vor.u32 v3, v16;
	v28 =	vmul.f32 v48, v9;
	[tilespmem:v37+s26+$0x0] =	vst.idx.msk $0xffff, v34;
	v44 =	vld.idx.msk [tilespmem:v29+s24+$0x0], $0xffff  }
0xe8: {  	s6 =	smov.u32 s13;
	v37 =	vor.u32 v3, v17;
	v49 =	vmul.f32 v51, v13;
	v48 =	vld.idx.msk [tilespmem:v42+s24+$0x0], $0xffff;
	[tilespmem:v38+s26+$0x0] =	vst.idx.msk $0xffff, v54  }
0xe9: {  	_ =	sdelay $0x1  }
0xea: {  	v11 =	vor.u32 v3, v15;
	v12 =	vmul.f32 v36, v21  }
0xeb: {  	v31 =	vmul.f32 v47, v20  }
0xec: {  	[tilespmem:v41+s26+$0x0] =	vst.idx.msk $0xffff, v12  }
0xed: {  	v32 =	vld.idx.msk [tilespmem:v46+s24+$0x0], $0xffff;
	[tilespmem:v40+s26+$0x0] =	vst.idx.msk $0xffff, v31;
	v41 =	vmul.f32 v48, v22  }
0xee: {  	[tilespmem:v39+s26+$0x0] =	vst.idx.msk $0xffff, v49;
	v31 =	vld.idx.msk [tilespmem:v19+s24+$0x0], $0xffff  }
0xef: {  	v34 =	vld.idx.msk [tilespmem:v11+s24+$0x0], $0xffff;
	[tilespmem:v42+s26+$0x0] =	vst.idx.msk $0xffff, v41  }
0xf0: {  	v48 =	vor.u32 v4, v16;
	v12 =	vld.idx.msk [tilespmem:v37+s24+$0x0], $0xffff  }
0xf1: {  	v50 =	vor.u32 v4, v18  }
0xf2: {  	v38 =	vor.u32 v4, v15;
	v32 =	vmul.f32 v32, v21  }
0xf3: {  	v49 =	vor.u32 v4, v17;
	v31 =	vmul.f32 v31, v20  }
0xf4: {  	v34 =	vmul.f32 v34, v13;
	[tilespmem:v46+s26+$0x0] =	vst.idx.msk $0xffff, v32  }
0xf5: {  	v32 =	vld.idx.msk [tilespmem:v48+s24+$0x0], $0xffff;
	[tilespmem:v19+s26+$0x0] =	vst.idx.msk $0xffff, v31;
	v12 =	vmul.f32 v12, v22  }
0xf6: {  	[tilespmem:v11+s26+$0x0] =	vst.idx.msk $0xffff, v34;
	v31 =	vld.idx.msk [tilespmem:v50+s24+$0x0], $0xffff  }
0xf7: {  	v11 =	vld.idx.msk [tilespmem:v38+s24+$0x0], $0xffff;
	[tilespmem:v37+s26+$0x0] =	vst.idx.msk $0xffff, v12  }
0xf8: {  	v51 =	vor.u32 v5, v16;
	v12 =	vld.idx.msk [tilespmem:v49+s24+$0x0], $0xffff  }
0xf9: {  	v54 =	vor.u32 v5, v18  }
0xfa: {  	v52 =	vor.u32 v5, v15;
	v32 =	vmul.f32 v32, v21  }
0xfb: {  	v53 =	vor.u32 v5, v17;
	v31 =	vmul.f32 v31, v20  }
0xfc: {  	v11 =	vmul.f32 v11, v13;
	[tilespmem:v48+s26+$0x0] =	vst.idx.msk $0xffff, v32  }
0xfd: {  	v32 =	vld.idx.msk [tilespmem:v51+s24+$0x0], $0xffff;
	[tilespmem:v50+s26+$0x0] =	vst.idx.msk $0xffff, v31;
	v12 =	vmul.f32 v12, v22  }
0xfe: {  	[tilespmem:v38+s26+$0x0] =	vst.idx.msk $0xffff, v11;
	v31 =	vld.idx.msk [tilespmem:v54+s24+$0x0], $0xffff  }
0xff: {  	v11 =	vld.idx.msk [tilespmem:v52+s24+$0x0], $0xffff;
	[tilespmem:v49+s26+$0x0] =	vst.idx.msk $0xffff, v12  }
0x100: {  	v55 =	vor.u32 v6, v16;
	v12 =	vld.idx.msk [tilespmem:v53+s24+$0x0], $0xffff  }
0x101: {  	v59 =	vor.u32 v6, v18  }
0x102: {  	v56 =	vor.u32 v6, v15;
	[tilespmem:v35+s26+$0x0] =	vst.idx.msk $0xffff, v28;
	v57 =	vmul.f32 v32, v21  }
0x103: {  	v58 =	vor.u32 v6, v17;
	v35 =	vld.idx.msk [tilespmem:v33+s24+$0x0], $0xffff;
	v60 =	vmul.f32 v31, v20  }
0x104: {  	v11 =	vmul.f32 v11, v13;
	[tilespmem:v51+s26+$0x0] =	vst.idx.msk $0xffff, v57  }
0x105: {  	v28 =	vld.idx.msk [tilespmem:v55+s24+$0x0], $0xffff;
	[tilespmem:v54+s26+$0x0] =	vst.idx.msk $0xffff, v60;
	v12 =	vmul.f32 v12, v22  }
0x106: {  	v63 =	vmul.f32 v44, v10;
	[tilespmem:v52+s26+$0x0] =	vst.idx.msk $0xffff, v11;
	v41 =	vld.idx.msk [tilespmem:v59+s24+$0x0], $0xffff  }
0x107: {  	v43 =	vmul.f32 v43, v8;
	v62 =	vld.idx.msk [tilespmem:v56+s24+$0x0], $0xffff;
	[tilespmem:v53+s26+$0x0] =	vst.idx.msk $0xffff, v12  }
0x108: {  	[tilespmem:v29+s26+$0x0] =	vst.idx.msk $0xffff, v63;
	v40 =	vmul.f32 v35, v9;
	v42 =	vor.u32 v7, v16;
	v37 =	vld.idx.msk [tilespmem:v58+s24+$0x0], $0xffff  }
0x109: {  	v61 =	vmul.f32 v45, v14;
	[tilespmem:v26+s26+$0x0] =	vst.idx.msk $0xffff, v43;
	v46 =	vld.idx.msk [tilespmem:v24+s24+$0x0], $0xffff;
	v50 =	vor.u32 v7, v18  }
0x10a: {  	v45 =	vor.u32 v7, v15;
	[tilespmem:v33+s26+$0x0] =	vst.idx.msk $0xffff, v40;
	v52 =	vld.idx.msk [tilespmem:v30+s24+$0x0], $0xffff;
	v48 =	vmul.f32 v28, v21  }
0x10b: {  	v47 =	vor.u32 v7, v17;
	[tilespmem:v27+s26+$0x0] =	vst.idx.msk $0xffff, v61;
	v49 =	vld.idx.msk [tilespmem:v23+s24+$0x0], $0xffff;
	v54 =	vmul.f32 v41, v20  }
0x10c: {  	v44 =	vld.idx.msk [tilespmem:v25+s24+$0x0], $0xffff;
	v51 =	vmul.f32 v62, v13;
	[tilespmem:v55+s26+$0x0] =	vst.idx.msk $0xffff, v48  }
0x10d: {  	v55 =	vld.idx.msk [tilespmem:v42+s24+$0x0], $0xffff;
	[tilespmem:v59+s26+$0x0] =	vst.idx.msk $0xffff, v54;
	v53 =	vmul.f32 v37, v22  }
0x10e: {  	v57 =	vmul.f32 v46, v10;
	[tilespmem:v56+s26+$0x0] =	vst.idx.msk $0xffff, v51;
	v60 =	vld.idx.msk [tilespmem:v50+s24+$0x0], $0xffff  }
0x10f: {  	v8 =	vmul.f32 v52, v8;
	v28 =	vld.idx.msk [tilespmem:v45+s24+$0x0], $0xffff;
	[tilespmem:v58+s26+$0x0] =	vst.idx.msk $0xffff, v53  }
0x110: {  	[tilespmem:v24+s26+$0x0] =	vst.idx.msk $0xffff, v57;
	v59 =	vmul.f32 v49, v9;
	v58 =	vld.idx.msk [tilespmem:v47+s24+$0x0], $0xffff  }
0x111: {  	[tilespmem:v30+s26+$0x0] =	vst.idx.msk $0xffff, v8;
	v56 =	vmul.f32 v44, v14  }
0x112: {  	[tilespmem:v23+s26+$0x0] =	vst.idx.msk $0xffff, v59;
	v61 =	vmul.f32 v55, v21  }
0x113: {  	[tilespmem:v25+s26+$0x0] =	vst.idx.msk $0xffff, v56;
	v63 =	vmul.f32 v60, v20  }
0x114: {  	s6 =	smul.u32 $0xA000, s31;
	v8 =	vmul.f32 v28, v13;
	[tilespmem:v42+s26+$0x0] =	vst.idx.msk $0xffff, v61  }
0x115: {  	[tilespmem:v50+s26+$0x0] =	vst.idx.msk $0xffff, v63;
	v62 =	vmul.f32 v58, v22  }
0x116: {  	s0 =	sshll.u32 s0, $0x7;
	p1 =	sne.s32 s30, $0x19;
	s6 =	sshrl.u32 s6, $0x2;
	[tilespmem:v45+s26+$0x0] =	vst.idx.msk $0xffff, v8  }
.Ltmp1:
0x117: {  	s0 =	sadd.s32 $0x2200, s0;
	s6 =	sadd.s32 $0x7400, s6;
	[tilespmem:v47+s26+$0x0] =	vst.idx.msk $0xffff, v62;
	(pc) =	sbr.rel @p1 .LBB2_3-.Ltmp1, $4  }
0x118: {  	[spmem:s4] =	stream.indirect.scatter.add.f32 [tilespmem:s6], [sflag:$0x2], $0x80, s0, s23, $0xb8;
	[tilespmem:$0x1FC80] =	vst v63  }
0x119: {  	_ =	swait.ge [sflag:s16], $0x2800  }
0x11a: {  	[sflag:s16] =	ssyncset.done $0x0  }
0x11b: {  	[sflag:s16] =	ssyncadd.s32 $0xFFFFD800  }
0x11c: {  	s28 =	sadd.s32 $0x1, s28  }
0x11d: {  	p1 =	sne.s32 s28, $0x5  }
.Ltmp2:
0x11e: {  	_ = 	snop;
	(pc) =	sbr.rel @p1 .LBB2_2-.Ltmp2, $1  }
0x11f: {  	_ =	sdelay $0x3  }
0x120: {  	[bflag:$0x0] =	sbarrier.arrive $0xFFFF  }
0x121: {  	s0 =	rddreg [dreg:$0x7]  }
0x122: {  	s9 =	rddreg [dreg:$0xa]  }
0x123: {  	[hbm:s0], [sflag:s11] =	dma.local [spmem:s9], $0x2700  }
0x124: {  	_ =	swait.ge [sflag:s16], $0x2700  }
0x125: {  	[sflag:s16] =	ssyncset.done $0x0;
	s0 =	rddreg [dreg:$0x8]  }
0x126: {  	s12 =	rddreg [dreg:$0xb];
	[sflag:s16] =	ssyncadd.s32 $0xFFFFD900  }
0x127: {  	[hbm:s0], [sflag:s11] =	dma.local @!p0 [spmem:s12], $0x100  }
0x128: {  	s0 =	simm.s32 @!p0 $0x2  }
0x129: {  	_ =	swait.ge @!p0 [sflag:s0], $0x100  }
0x12a: {  	s5 =	sadd.s32 $0x1, s5;
	s6 =	rddreg [dreg:$0x9]  }
0x12b: {  	p1 =	sne.s32 s5, s6  }
.Ltmp3:
0x12c: {  	_ = 	snop;
	(pc) =	sbr.rel @p1 .LBB2_1-.Ltmp3, $3  }
0x12d: {  	_ =	sdelay $0x1  }
0x12e: {  	[sflag:s0] =	ssyncset.done @!p0 $0x0  }
0x12f: {  	[sflag:s0] =	ssyncadd.s32 @!p0 $0xFFFFFF00  }
0x130: {  	_ =	sfence.sel $0x180000  }
0x131: {  	[bflag:$0x0] =	sbarrier.arrive $0xFFFF  }
0x132: {  	_ =	strace $0x90000047  }
0x133: {  	s0 =	stileid.u32;
	[bflag:$0x2] =	sbarrier.arrive $0xFFFF  }
0x134: {  	p0 =	sne.s32 s0, $0x0;
	s0 =	rddreg [dreg:$0x5]  }
0x135: {  	s0 =	sadd.s32 @!p0 $0x100000, s0  }
0x136: {  	[sflag:s0] =	ssyncadd.tile.s32 @!p0 $0x1;
	_ =	shalt  }
.Lfunc_end2:
_tile_overlayer_lowered:
.L_overlay_start_2:
0x137: {  	(tag) =	ssettag $0x2  }
0x138: {  	s0 =	rddreg [dreg:$0x0];
	s2 =	stileid.u32  }
0x139: {  	s1 =	rddreg [dreg:$0x1];
	p0 =	sne.s32 s2, $0x0  }
0x13a: {  	s3 =	rddreg [dreg:$0x2];
	[bflag:$0x3] =	sbarrier.arrive $0xFFFF;
	s2 =	simm.s32 @!p0 $0x1C02  }
0x13b: {  	[timem:s3], [sflag:s2] =	dma.local @!p0 [hbm:s0], s1  }
0x13c: {  	s0 =	simm.s32 @!p0 $0x2  }
0x13d: {  	_ =	swait.ge @!p0 [sflag:s0], s1  }
0x13e: {  	s1 =	ssub.s32 @!p0 $0x0, s1;
	[sflag:s0] =	ssyncset.done @!p0 $0x0  }
0x13f: {  	[sflag:s0] =	ssyncadd.s32 @!p0 s1  }
0x140: {  	[bflag:$0x3] =	sbarrier.arrive $0xFFFF  }
0x141: {  	_ =	shalt  }

</sc_bundles>
